<compile_context>
chip_gen: v7x
topology: tpu7x:2x2x1
jax: 0.10.2.dev20260603
libtpu: 0.0.44.dev20260713+nightly
codegen_flags: <defaults>
</compile_context>

<pallas_src>
import functools

import jax
import jax.numpy as jnp
from jax import lax
from jax.experimental import pallas as pl
from jax.experimental.pallas import tpu as pltpu
from jax.experimental.pallas import tpu_sc as plsc

N = 10000
E = 320000
D = 128
H = 128
G = 64
OUT = 10

NPAD = 10240
RPT = NPAD // 16
CH = 128
CHUNKS = 2560
E_PAD = CHUNKS * CH
CPW = CHUNKS // 32
SLAB = 40
BN = 1024
NB = NPAD // BN

_mesh = plsc.VectorSubcoreMesh(core_axis_name="c", subcore_axis_name="s")


def _sc_deg_body(edges_hbm, ones_hbm, out_hbm, dstv, onesv, acc, ss0, ss1):
    c = lax.axis_index("c")
    s = lax.axis_index("s")
    r0 = s * RPT
    pltpu.sync_copy(ones_hbm, onesv)

    @pl.loop(0, RPT // CH)
    def _(k):
        pltpu.sync_copy(onesv, acc.at[pl.ds(r0 + k * CH, CH)])

    base = (c * 16 + s) * CPW
    pltpu.sync_copy(edges_hbm.at[1, pl.ds(base, CPW)], dstv)
    plsc.subcore_barrier()

    pltpu.async_copy(onesv, acc.at[dstv.at[0]], ss0, add=True)
    pltpu.async_copy(onesv, acc.at[dstv.at[1]], ss1, add=True)

    @pl.loop(0, CPW, step=2)
    def _(j):
        pltpu.make_async_copy(onesv, acc.at[dstv.at[j]], ss0).wait()

        @pl.when(j + 2 < CPW)
        def _():
            pltpu.async_copy(onesv, acc.at[dstv.at[j + 2]], ss0, add=True)

        pltpu.make_async_copy(onesv, acc.at[dstv.at[j + 1]], ss1).wait()

        @pl.when(j + 3 < CPW)
        def _():
            pltpu.async_copy(onesv, acc.at[dstv.at[j + 3]], ss1, add=True)

    plsc.subcore_barrier()
    pltpu.sync_copy(acc.at[pl.ds(r0, RPT)], out_hbm.at[c, pl.ds(r0, RPT)])


def _sc_agg_body(edges_hbm, m_hbm, out_hbm, srcv, dstv, rows0, rows1,
                 acc, gs0, gs1, ss0, ss1):
    c = lax.axis_index("c")
    s = lax.axis_index("s")
    r0 = s * RPT
    pltpu.sync_copy(m_hbm.at[pl.ds(r0, RPT)], acc.at[pl.ds(r0, RPT)])
    base = (c * 16 + s) * CPW
    plsc.subcore_barrier()

    for p in range(CPW // SLAB):
        pltpu.sync_copy(edges_hbm.at[0, pl.ds(base + p * SLAB, SLAB)], srcv)
        pltpu.sync_copy(edges_hbm.at[1, pl.ds(base + p * SLAB, SLAB)], dstv)
        pltpu.async_copy(m_hbm.at[srcv.at[0]], rows0, gs0)

        @pl.loop(0, SLAB, step=2)
        def _(j):
            pltpu.async_copy(m_hbm.at[srcv.at[j + 1]], rows1, gs1)
            pltpu.make_async_copy(m_hbm.at[srcv.at[j]], rows0, gs0).wait()
            pltpu.sync_copy(rows0, acc.at[dstv.at[j]], add=True)

            @pl.when(j + 2 < SLAB)
            def _():
                pltpu.async_copy(m_hbm.at[srcv.at[j + 2]], rows0, gs0)

            pltpu.make_async_copy(m_hbm.at[srcv.at[j + 1]], rows1, gs1).wait()
            pltpu.sync_copy(rows1, acc.at[dstv.at[j + 1]], add=True)

    plsc.subcore_barrier()
    pltpu.sync_copy(acc.at[pl.ds(r0, RPT)], out_hbm.at[c, pl.ds(r0, RPT)])


_sc_deg = pl.kernel(
    _sc_deg_body,
    out_type=jax.ShapeDtypeStruct((2, NPAD, H), jnp.float32),
    mesh=_mesh,
    scratch_types=[
        pltpu.VMEM((CPW, CH), jnp.int32),
        pltpu.VMEM((CH, H), jnp.float32),
        pltpu.VMEM_SHARED((NPAD, H), jnp.float32),
        pltpu.SemaphoreType.DMA,
        pltpu.SemaphoreType.DMA,
    ],
)

_sc_agg = pl.kernel(
    _sc_agg_body,
    out_type=jax.ShapeDtypeStruct((2, NPAD, H), jnp.float32),
    mesh=_mesh,
    scratch_types=[
        pltpu.VMEM((SLAB, CH), jnp.int32),
        pltpu.VMEM((SLAB, CH), jnp.int32),
        pltpu.VMEM((CH, H), jnp.float32),
        pltpu.VMEM((CH, H), jnp.float32),
        pltpu.VMEM_SHARED((NPAD, H), jnp.float32),
        pltpu.SemaphoreType.DMA,
        pltpu.SemaphoreType.DMA,
        pltpu.SemaphoreType.DMA,
        pltpu.SemaphoreType.DMA,
    ],
)


def _tc_mm_body(x, w, u_out):
    u_out[...] = jnp.dot(x[...], w[...], preferred_element_type=jnp.float32)


def _tc_pre_body(dega, degb, u, m_out, dinv_out):
    i = pl.program_id(0)
    deg = dega[...][0][:, 0:1] + degb[...][0][:, 0:1] - 1.0
    rows = i * BN + lax.broadcasted_iota(jnp.int32, (BN, 1), 0)
    dinv = jnp.where(rows < N, lax.rsqrt(jnp.maximum(deg, 1e-12)), 0.0)
    m_out[...] = u[...] * dinv
    dinv_out[...] = dinv


def _tc_mid_body(ta, tb, m, dinv, b, w, out):
    t = ta[...][0] + tb[...][0] - m[...]
    h = jnp.maximum(dinv[...] * t + b[...], 0.0)
    out[...] = jnp.dot(h, w[...], preferred_element_type=jnp.float32) * dinv[...]


def _tc_post_body(ta, tb, m, dinv, b, bt, wih_t, bih, bhh, wout_t, bout,
                  out, sums, cnt):
    i = pl.program_id(0)

    @pl.when(i == 0)
    def _():
        sums[...] = jnp.zeros((G, H), jnp.float32)
        cnt[...] = jnp.zeros((G, 1), jnp.float32)

    t = ta[...][0] + tb[...][0] - m[...]
    h = jnp.maximum(dinv[...] * t + b[...], 0.0)
    bvec = bt[...][0]
    gids = lax.broadcasted_iota(jnp.int32, (G, 1), 0)
    p = (bvec == gids).astype(jnp.float32)
    sums[...] += jnp.dot(p, h, preferred_element_type=jnp.float32)
    cnt[...] += jnp.sum(p, axis=1, keepdims=True)

    @pl.when(i == NB - 1)
    def _():
        pooled = sums[...] / jnp.maximum(cnt[...], 1.0)
        gates = (jnp.dot(pooled, wih_t[...], preferred_element_type=jnp.float32)
                 + bih[...] + bhh[...])
        ig = jax.nn.sigmoid(gates[:, 0:H])
        gg = jnp.tanh(gates[:, 2 * H:3 * H])
        og = jax.nn.sigmoid(gates[:, 3 * H:4 * H])
        hn = og * jnp.tanh(ig * gg)
        out[...] = (jnp.dot(hn, wout_t[...], preferred_element_type=jnp.float32)
                    + bout[...])


def _row_spec(width):
    return pl.BlockSpec((BN, width), lambda i: (i, 0))


def _full_spec(shape):
    return pl.BlockSpec(shape, lambda i: (0,) * len(shape))


_tc_mm = pl.pallas_call(
    _tc_mm_body,
    grid=(NB,),
    in_specs=[_row_spec(D), _full_spec((D, H))],
    out_specs=_row_spec(H),
    out_shape=jax.ShapeDtypeStruct((NPAD, H), jnp.float32),
)

def _part_spec(core):
    return pl.BlockSpec((1, BN, H), lambda i, c=core: (c, i, 0))


_tc_pre = pl.pallas_call(
    _tc_pre_body,
    grid=(NB,),
    in_specs=[_part_spec(0), _part_spec(1), _row_spec(H)],
    out_specs=[_row_spec(H), _row_spec(1)],
    out_shape=[jax.ShapeDtypeStruct((NPAD, H), jnp.float32),
               jax.ShapeDtypeStruct((NPAD, 1), jnp.float32)],
)

_tc_mid = pl.pallas_call(
    _tc_mid_body,
    grid=(NB,),
    in_specs=[_part_spec(0), _part_spec(1), _row_spec(H), _row_spec(1),
              _full_spec((1, H)), _full_spec((H, H))],
    out_specs=_row_spec(H),
    out_shape=jax.ShapeDtypeStruct((NPAD, H), jnp.float32),
)

_tc_post = pl.pallas_call(
    _tc_post_body,
    grid=(NB,),
    in_specs=[_part_spec(0), _part_spec(1), _row_spec(H), _row_spec(1),
              _full_spec((1, H)),
              pl.BlockSpec((1, 1, BN), lambda i: (i, 0, 0)),
              _full_spec((H, 4 * H)), _full_spec((1, 4 * H)),
              _full_spec((1, 4 * H)), _full_spec((H, 16)),
              _full_spec((1, 16))],
    out_specs=_full_spec((G, 16)),
    out_shape=jax.ShapeDtypeStruct((G, 16), jnp.float32),
    scratch_shapes=[pltpu.VMEM((G, H), jnp.float32),
                    pltpu.VMEM((G, 1), jnp.float32)],
)


def kernel(x, edge_index, batch, W1, b1, W2, b2, W_ih, W_hh, b_ih, b_hh, W_out, b_out):
    pad_e = E_PAD - E
    ar = jnp.arange(pad_e, dtype=jnp.int32)
    pad_edges = jnp.stack([ar % N, N + ar % (NPAD - N)])
    edges = jnp.concatenate([edge_index, pad_edges], axis=1).reshape(2, CHUNKS, CH)
    x_pad = jnp.pad(x, ((0, NPAD - N), (0, 0)))
    batch3d = jnp.pad(batch, (0, NPAD - N), constant_values=G).reshape(NB, 1, BN)
    ones128 = jnp.ones((CH, H), jnp.float32)
    u1 = _tc_mm(x_pad, W1)
    degp = _sc_deg(edges, ones128)
    m1, dinv = _tc_pre(degp, degp, u1)
    t1 = _sc_agg(edges, m1)
    m2 = _tc_mid(t1, t1, m1, dinv, b1.reshape(1, H), W2)
    t2 = _sc_agg(edges, m2)
    wout_t = jnp.pad(W_out.T, ((0, 0), (0, 16 - OUT)))
    bout = jnp.pad(b_out, (0, 16 - OUT)).reshape(1, 16)
    out = _tc_post(t2, t2, m2, dinv, b2.reshape(1, H), batch3d,
                   W_ih.T, b_ih.reshape(1, 4 * H), b_hh.reshape(1, 4 * H),
                   wout_t, bout)
    return out[:, :OUT]

# --- scband reference (transcript-rebuilt; emitter-appended) ---
"""Pipeline reference for scband-temporal-gcn-61701500174742 (READ-ONLY COPY).

The authoritative reference and input builder live on the scoring server;
editing this copy changes nothing except your own understanding.
"""

import jax, jax.numpy as jnp
import numpy as np

N = 10000
E = 320000
D = 128
H = 128
LH = 128
OUT = 10
G = 64

def setup_inputs(seed: int = 0):
    key = jax.random.key(seed)
    ks = jax.random.split(key, 16)
    inp = {}
    inp["x"] = jax.random.normal(ks[0], (N, D), dtype=jnp.float32)
    inp["edge_index"] = jax.random.randint(ks[1], (2, E), 0, N, dtype=jnp.int32)
    inp["batch"] = jnp.sort(jax.random.randint(ks[2], (N,), 0, G, dtype=jnp.int32))
    inp["W1"] = jax.random.normal(ks[3], (D, H), dtype=jnp.float32) / np.sqrt(D)
    inp["b1"] = jnp.zeros((H,), dtype=jnp.float32)
    inp["W2"] = jax.random.normal(ks[4], (H, H), dtype=jnp.float32) / np.sqrt(H)
    inp["b2"] = jnp.zeros((H,), dtype=jnp.float32)
    inp["W_ih"] = jax.random.normal(ks[5], (4 * LH, H), dtype=jnp.float32) / np.sqrt(H)
    inp["W_hh"] = jax.random.normal(ks[6], (4 * LH, LH), dtype=jnp.float32) / np.sqrt(LH)
    inp["b_ih"] = jnp.zeros((4 * LH,), dtype=jnp.float32)
    inp["b_hh"] = jnp.zeros((4 * LH,), dtype=jnp.float32)
    inp["W_out"] = jax.random.normal(ks[7], (OUT, LH), dtype=jnp.float32) / np.sqrt(LH)
    inp["b_out"] = jnp.zeros((OUT,), dtype=jnp.float32)
    return inp

def _gcn_conv(x, edge_index, W, b):
    src = edge_index[0]
    dst = edge_index[1]
    loop = jnp.arange(N, dtype=src.dtype)
    s = jnp.concatenate([src, loop])
    d = jnp.concatenate([dst, loop])
    deg = jax.ops.segment_sum(jnp.ones(s.shape[0], dtype=x.dtype), d, num_segments=N)
    dinv = jnp.where(deg > 0, jax.lax.rsqrt(jnp.maximum(deg, 1e-12)), 0.0)
    norm = dinv[s] * dinv[d]
    h = x @ W
    msg = h[s] * norm[:, None]
    agg = jax.ops.segment_sum(msg, d, num_segments=N)
    return agg + b

def reference(x, edge_index, batch, W1, b1, W2, b2, W_ih, W_hh, b_ih, b_hh, W_out, b_out):
    h = jax.nn.relu(_gcn_conv(x, edge_index, W1, b1))
    h = jax.nn.relu(_gcn_conv(h, edge_index, W2, b2))
    sums = jax.ops.segment_sum(h, batch, num_segments=G)
    cnts = jax.ops.segment_sum(jnp.ones((N,), dtype=h.dtype), batch, num_segments=G)
    pooled = sums / jnp.maximum(cnts, 1.0)[:, None]
    h0 = jnp.zeros((G, LH), dtype=pooled.dtype)
    gates = pooled @ W_ih.T + b_ih + h0 @ W_hh.T + b_hh
    i, f, g, o = jnp.split(gates, 4, axis=-1)
    i = jax.nn.sigmoid(i)
    f = jax.nn.sigmoid(f)
    g = jnp.tanh(g)
    o = jax.nn.sigmoid(o)
    c0 = jnp.zeros((G, LH), dtype=pooled.dtype)
    c = f * c0 + i * g
    hn = o * jnp.tanh(c)
    return hn @ W_out.T + b_out

if __name__ == "__main__":
    import jax
    _d = setup_inputs()
    print(jax.jit(kernel)(*tuple(_d.values())))

</pallas_src>

<mosaic_0001>
#map = affine_map<(d0, d1) -> (0, 0, 0)>
#map1 = affine_map<(d0, d1) -> (0, 0)>
module attributes {stable_mosaic.version = 14 : i64} {
  func.func @_sc_agg_body(%arg0: i32, %arg1: i32, %arg2: memref<2x2560x128xi32, #tpu.memory_space<hbm>>, %arg3: memref<10240x128xf32, #tpu.memory_space<hbm>>, %arg4: memref<2x10240x128xf32, #tpu.memory_space<hbm>>, %arg5: memref<40x128xi32, #tpu.memory_space<vmem>>, %arg6: memref<40x128xi32, #tpu.memory_space<vmem>>, %arg7: memref<128x128xf32, #tpu.memory_space<vmem>>, %arg8: memref<128x128xf32, #tpu.memory_space<vmem>>, %arg9: memref<10240x128xf32, #tpu.memory_space<vmem_shared>>, %arg10: memref<!tpu.dma_semaphore, #tpu.memory_space<semaphore_mem>>, %arg11: memref<!tpu.dma_semaphore, #tpu.memory_space<semaphore_mem>>, %arg12: memref<!tpu.dma_semaphore, #tpu.memory_space<semaphore_mem>>, %arg13: memref<!tpu.dma_semaphore, #tpu.memory_space<semaphore_mem>>) attributes {dimension_semantics = [#tpu.dimension_semantics<core_parallel>, #tpu.dimension_semantics<subcore_parallel>], iteration_bounds = array<i64: 2, 16>, scalar_prefetch = 0 : i64, scratch_operands = 9 : i64, tpu.core_type = #tpu.core_type<sc_vector_subcore>, window_params = [{transform_indices = #map}, {transform_indices = #map1}, {transform_indices = #map}]} {
    %mul3A = arith.constant 640 : i32
    %mul3A_0 = arith.muli %arg1, %mul3A : i32
    "tpu.region"() ({
      %run_scoped3A_39 = tpu.sem_alloc : memref<!tpu.dma_semaphore, #tpu.memory_space<semaphore_mem>>
      %dma_start3A_40 = arith.constant 0 : i32
      %dma_start3A_41 = tpu.memref_slice %arg9[%mul3A_0, %dma_start3A_40] : memref<10240x128xf32, #tpu.memory_space<vmem_shared>> -> memref<640x128xf32, #tpu.memory_space<vmem_shared>>
      %dma_start3A_42 = arith.constant 0 : i32
      %dma_start3A_43 = tpu.memref_slice %arg3[%mul3A_0, %dma_start3A_42] : memref<10240x128xf32, #tpu.memory_space<hbm>> -> memref<640x128xf32, #tpu.memory_space<hbm>>
      tpu.enqueue_dma source(%dma_start3A_43 : memref<640x128xf32, #tpu.memory_space<hbm>>) target(%dma_start3A_41 : memref<640x128xf32, #tpu.memory_space<vmem_shared>>) target_semaphore(%run_scoped3A_39 : memref<!tpu.dma_semaphore, #tpu.memory_space<semaphore_mem>>)
      %dma_wait3A = arith.constant 0 : i32
      %dma_wait3A_44 = tpu.memref_slice %arg9[%mul3A_0, %dma_wait3A] : memref<10240x128xf32, #tpu.memory_space<vmem_shared>> -> memref<640x128xf32, #tpu.memory_space<vmem_shared>>
      %dma_wait3A_45 = arith.constant 0 : i32
      %dma_wait3A_46 = tpu.memref_slice %arg3[%mul3A_0, %dma_wait3A_45] : memref<10240x128xf32, #tpu.memory_space<hbm>> -> memref<640x128xf32, #tpu.memory_space<hbm>>
      tpu.wait_dma2 semaphore(%run_scoped3A_39 : memref<!tpu.dma_semaphore, #tpu.memory_space<semaphore_mem>>) src(%dma_wait3A_46 : memref<640x128xf32, #tpu.memory_space<hbm>>) dst(%dma_wait3A_44 : memref<640x128xf32, #tpu.memory_space<vmem_shared>>)
      tpu.yield
    }) : () -> ()
    %mul3A_1 = arith.constant 16 : i32
    %mul3A_2 = arith.muli %arg0, %mul3A_1 : i32
    %add3A = arith.addi %mul3A_2, %arg1 : i32
    %mul3A_3 = arith.constant 80 : i32
    %mul3A_4 = arith.muli %add3A, %mul3A_3 : i32
    %barrier3A = arith.constant 0 : index
    tpu.barrier barrier_id(%barrier3A)
    %add3A_5 = arith.constant 0 : i32
    %add3A_6 = arith.addi %mul3A_4, %add3A_5 : i32
    %run_scoped3A = arith.constant 0 : i32
    "tpu.region"() ({
      %run_scoped3A_39 = tpu.sem_alloc : memref<!tpu.dma_semaphore, #tpu.memory_space<semaphore_mem>>
      %dma_start3A_40 = arith.constant 0 : i32
      %dma_start3A_41 = tpu.memref_slice %arg2[%run_scoped3A, %add3A_6, %dma_start3A_40] : memref<2x2560x128xi32, #tpu.memory_space<hbm>> -> memref<1x40x128xi32, #tpu.memory_space<hbm>>
      %dma_start3A_42 = tpu.memref_squeeze %dma_start3A_41 : memref<1x40x128xi32, #tpu.memory_space<hbm>> -> memref<40x128xi32, #tpu.memory_space<hbm>>
      %dma_start3A_43 = arith.constant 0 : i32
      %dma_start3A_44 = tpu.memref_slice %arg2[%run_scoped3A, %add3A_6, %dma_start3A_43] : memref<2x2560x128xi32, #tpu.memory_space<hbm>> -> memref<1x40x128xi32, #tpu.memory_space<hbm>>
      %dma_start3A_45 = tpu.memref_squeeze %dma_start3A_44 : memref<1x40x128xi32, #tpu.memory_space<hbm>> -> memref<40x128xi32, #tpu.memory_space<hbm>>
      tpu.enqueue_dma source(%dma_start3A_45 : memref<40x128xi32, #tpu.memory_space<hbm>>) target(%arg5 : memref<40x128xi32, #tpu.memory_space<vmem>>) target_semaphore(%run_scoped3A_39 : memref<!tpu.dma_semaphore, #tpu.memory_space<semaphore_mem>>)
      %dma_wait3A = arith.constant 0 : i32
      %dma_wait3A_46 = tpu.memref_slice %arg2[%run_scoped3A, %add3A_6, %dma_wait3A] : memref<2x2560x128xi32, #tpu.memory_space<hbm>> -> memref<1x40x128xi32, #tpu.memory_space<hbm>>
      %dma_wait3A_47 = tpu.memref_squeeze %dma_wait3A_46 : memref<1x40x128xi32, #tpu.memory_space<hbm>> -> memref<40x128xi32, #tpu.memory_space<hbm>>
      %dma_wait3A_48 = arith.constant 0 : i32
      %dma_wait3A_49 = tpu.memref_slice %arg2[%run_scoped3A, %add3A_6, %dma_wait3A_48] : memref<2x2560x128xi32, #tpu.memory_space<hbm>> -> memref<1x40x128xi32, #tpu.memory_space<hbm>>
      %dma_wait3A_50 = tpu.memref_squeeze %dma_wait3A_49 : memref<1x40x128xi32, #tpu.memory_space<hbm>> -> memref<40x128xi32, #tpu.memory_space<hbm>>
      tpu.wait_dma2 semaphore(%run_scoped3A_39 : memref<!tpu.dma_semaphore, #tpu.memory_space<semaphore_mem>>) src(%dma_wait3A_50 : memref<40x128xi32, #tpu.memory_space<hbm>>) dst(%arg5 : memref<40x128xi32, #tpu.memory_space<vmem>>)
      tpu.yield
    }) : () -> ()
    %add3A_7 = arith.constant 0 : i32
    %add3A_8 = arith.addi %mul3A_4, %add3A_7 : i32
    %run_scoped3A_9 = arith.constant 1 : i32
    "tpu.region"() ({
      %run_scoped3A_39 = tpu.sem_alloc : memref<!tpu.dma_semaphore, #tpu.memory_space<semaphore_mem>>
      %dma_start3A_40 = arith.constant 0 : i32
      %dma_start3A_41 = tpu.memref_slice %arg2[%run_scoped3A_9, %add3A_8, %dma_start3A_40] : memref<2x2560x128xi32, #tpu.memory_space<hbm>> -> memref<1x40x128xi32, #tpu.memory_space<hbm>>
      %dma_start3A_42 = tpu.memref_squeeze %dma_start3A_41 : memref<1x40x128xi32, #tpu.memory_space<hbm>> -> memref<40x128xi32, #tpu.memory_space<hbm>>
      %dma_start3A_43 = arith.constant 0 : i32
      %dma_start3A_44 = tpu.memref_slice %arg2[%run_scoped3A_9, %add3A_8, %dma_start3A_43] : memref<2x2560x128xi32, #tpu.memory_space<hbm>> -> memref<1x40x128xi32, #tpu.memory_space<hbm>>
      %dma_start3A_45 = tpu.memref_squeeze %dma_start3A_44 : memref<1x40x128xi32, #tpu.memory_space<hbm>> -> memref<40x128xi32, #tpu.memory_space<hbm>>
      tpu.enqueue_dma source(%dma_start3A_45 : memref<40x128xi32, #tpu.memory_space<hbm>>) target(%arg6 : memref<40x128xi32, #tpu.memory_space<vmem>>) target_semaphore(%run_scoped3A_39 : memref<!tpu.dma_semaphore, #tpu.memory_space<semaphore_mem>>)
      %dma_wait3A = arith.constant 0 : i32
      %dma_wait3A_46 = tpu.memref_slice %arg2[%run_scoped3A_9, %add3A_8, %dma_wait3A] : memref<2x2560x128xi32, #tpu.memory_space<hbm>> -> memref<1x40x128xi32, #tpu.memory_space<hbm>>
      %dma_wait3A_47 = tpu.memref_squeeze %dma_wait3A_46 : memref<1x40x128xi32, #tpu.memory_space<hbm>> -> memref<40x128xi32, #tpu.memory_space<hbm>>
      %dma_wait3A_48 = arith.constant 0 : i32
      %dma_wait3A_49 = tpu.memref_slice %arg2[%run_scoped3A_9, %add3A_8, %dma_wait3A_48] : memref<2x2560x128xi32, #tpu.memory_space<hbm>> -> memref<1x40x128xi32, #tpu.memory_space<hbm>>
      %dma_wait3A_50 = tpu.memref_squeeze %dma_wait3A_49 : memref<1x40x128xi32, #tpu.memory_space<hbm>> -> memref<40x128xi32, #tpu.memory_space<hbm>>
      tpu.wait_dma2 semaphore(%run_scoped3A_39 : memref<!tpu.dma_semaphore, #tpu.memory_space<semaphore_mem>>) src(%dma_wait3A_50 : memref<40x128xi32, #tpu.memory_space<hbm>>) dst(%arg6 : memref<40x128xi32, #tpu.memory_space<vmem>>)
      tpu.yield
    }) : () -> ()
    %dma_start3A = arith.constant 0 : i32
    %dma_start3A_10 = arith.constant 0 : i32
    %dma_start3A_11 = tpu.memref_slice %arg5[%dma_start3A, %dma_start3A_10] : memref<40x128xi32, #tpu.memory_space<vmem>> -> memref<1x128xi32, #tpu.memory_space<vmem>>
    %dma_start3A_12 = tpu.memref_squeeze %dma_start3A_11 : memref<1x128xi32, #tpu.memory_space<vmem>> -> memref<128xi32, #tpu.memory_space<vmem>>
    %dma_start3A_13 = arith.constant 0 : i32
    %dma_start3A_14 = arith.constant 0 : i32
    %dma_start3A_15 = tpu.memref_slice %arg3[%dma_start3A_13, %dma_start3A_14] : memref<10240x128xf32, #tpu.memory_space<hbm>> -> memref<10240x128xf32, #tpu.memory_space<hbm>>
    tpu.enqueue_indirect_dma source(%dma_start3A_15 : memref<10240x128xf32, #tpu.memory_space<hbm>>) target(%arg7 : memref<128x128xf32, #tpu.memory_space<vmem>>) offsets(%dma_start3A_12 : memref<128xi32, #tpu.memory_space<vmem>>) semaphore(%arg10 : memref<!tpu.dma_semaphore, #tpu.memory_space<semaphore_mem>>)
    %scan3A = arith.constant 0 : i32
    %scan3A_16 = arith.constant 20 : i32
    %scan3A_17 = arith.addi %scan3A, %scan3A_16 : i32
    %scan3A_18 = arith.constant 1 : i32
    scf.for %scan3A_39 = %scan3A to %scan3A_17 step %scan3A_18  : i32 {
      %mul3A_40 = arith.constant 2 : i32
      %mul3A_41 = arith.muli %scan3A_39, %mul3A_40 : i32
      %add3A_42 = arith.constant 0 : i32
      %add3A_43 = arith.addi %add3A_42, %mul3A_41 : i32
      %add3A_44 = arith.constant 1 : i32
      %add3A_45 = arith.addi %add3A_43, %add3A_44 : i32
      %dma_start3A_46 = arith.constant 0 : i32
      %dma_start3A_47 = tpu.memref_slice %arg5[%add3A_45, %dma_start3A_46] : memref<40x128xi32, #tpu.memory_space<vmem>> -> memref<1x128xi32, #tpu.memory_space<vmem>>
      %dma_start3A_48 = tpu.memref_squeeze %dma_start3A_47 : memref<1x128xi32, #tpu.memory_space<vmem>> -> memref<128xi32, #tpu.memory_space<vmem>>
      %dma_start3A_49 = arith.constant 0 : i32
      %dma_start3A_50 = arith.constant 0 : i32
      %dma_start3A_51 = tpu.memref_slice %arg3[%dma_start3A_49, %dma_start3A_50] : memref<10240x128xf32, #tpu.memory_space<hbm>> -> memref<10240x128xf32, #tpu.memory_space<hbm>>
      tpu.enqueue_indirect_dma source(%dma_start3A_51 : memref<10240x128xf32, #tpu.memory_space<hbm>>) target(%arg8 : memref<128x128xf32, #tpu.memory_space<vmem>>) offsets(%dma_start3A_48 : memref<128xi32, #tpu.memory_space<vmem>>) semaphore(%arg11 : memref<!tpu.dma_semaphore, #tpu.memory_space<semaphore_mem>>)
      %dma_wait3A = arith.constant 0 : i32
      %dma_wait3A_52 = tpu.memref_slice %arg5[%add3A_43, %dma_wait3A] : memref<40x128xi32, #tpu.memory_space<vmem>> -> memref<1x128xi32, #tpu.memory_space<vmem>>
      %dma_wait3A_53 = tpu.memref_squeeze %dma_wait3A_52 : memref<1x128xi32, #tpu.memory_space<vmem>> -> memref<128xi32, #tpu.memory_space<vmem>>
      %dma_wait3A_54 = arith.constant 0 : i32
      %dma_wait3A_55 = arith.constant 0 : i32
      %dma_wait3A_56 = tpu.memref_slice %arg3[%dma_wait3A_54, %dma_wait3A_55] : memref<10240x128xf32, #tpu.memory_space<hbm>> -> memref<10240x128xf32, #tpu.memory_space<hbm>>
      tpu.wait_indirect_dma semaphore(%arg10 : memref<!tpu.dma_semaphore, #tpu.memory_space<semaphore_mem>>) src(%dma_wait3A_56 : memref<10240x128xf32, #tpu.memory_space<hbm>>) dst(%arg7 : memref<128x128xf32, #tpu.memory_space<vmem>>)
      "tpu.region"() ({
        %run_scoped3A_71 = tpu.sem_alloc : memref<!tpu.dma_semaphore, #tpu.memory_space<semaphore_mem>>
        %dma_start3A_72 = arith.constant 0 : i32
        %dma_start3A_73 = tpu.memref_slice %arg6[%add3A_43, %dma_start3A_72] : memref<40x128xi32, #tpu.memory_space<vmem>> -> memref<1x128xi32, #tpu.memory_space<vmem>>
        %dma_start3A_74 = tpu.memref_squeeze %dma_start3A_73 : memref<1x128xi32, #tpu.memory_space<vmem>> -> memref<128xi32, #tpu.memory_space<vmem>>
        %dma_start3A_75 = arith.constant 0 : i32
        %dma_start3A_76 = arith.constant 0 : i32
        %dma_start3A_77 = tpu.memref_slice %arg9[%dma_start3A_75, %dma_start3A_76] : memref<10240x128xf32, #tpu.memory_space<vmem_shared>> -> memref<10240x128xf32, #tpu.memory_space<vmem_shared>>
        tpu.enqueue_indirect_dma source(%arg7 : memref<128x128xf32, #tpu.memory_space<vmem>>) target(%dma_start3A_77 : memref<10240x128xf32, #tpu.memory_space<vmem_shared>>) offsets(%dma_start3A_74 : memref<128xi32, #tpu.memory_space<vmem>>) semaphore(%run_scoped3A_71 : memref<!tpu.dma_semaphore, #tpu.memory_space<semaphore_mem>>) {add = true}
        %dma_wait3A_78 = arith.constant 0 : i32
        %dma_wait3A_79 = tpu.memref_slice %arg6[%add3A_43, %dma_wait3A_78] : memref<40x128xi32, #tpu.memory_space<vmem>> -> memref<1x128xi32, #tpu.memory_space<vmem>>
        %dma_wait3A_80 = tpu.memref_squeeze %dma_wait3A_79 : memref<1x128xi32, #tpu.memory_space<vmem>> -> memref<128xi32, #tpu.memory_space<vmem>>
        %dma_wait3A_81 = arith.constant 0 : i32
        %dma_wait3A_82 = arith.constant 0 : i32
        %dma_wait3A_83 = tpu.memref_slice %arg9[%dma_wait3A_81, %dma_wait3A_82] : memref<10240x128xf32, #tpu.memory_space<vmem_shared>> -> memref<10240x128xf32, #tpu.memory_space<vmem_shared>>
        tpu.wait_indirect_dma semaphore(%run_scoped3A_71 : memref<!tpu.dma_semaphore, #tpu.memory_space<semaphore_mem>>) src(%arg7 : memref<128x128xf32, #tpu.memory_space<vmem>>) dst(%dma_wait3A_83 : memref<10240x128xf32, #tpu.memory_space<vmem_shared>>)
        tpu.yield
      }) : () -> ()
      %add3A_57 = arith.constant 2 : i32
      %add3A_58 = arith.addi %add3A_43, %add3A_57 : i32
      %lt3A = arith.constant 40 : i32
      %lt3A_59 = arith.cmpi slt, %add3A_58, %lt3A : i32
      %convert_element_type3A = arith.extui %lt3A_59 : i1 to i32
      %cond3A = arith.constant 0 : i32
      %cond3A_60 = arith.cmpi ne, %convert_element_type3A, %cond3A : i32
      scf.if %cond3A_60 {
        %add3A_71 = arith.constant 2 : i32
        %add3A_72 = arith.addi %add3A_43, %add3A_71 : i32
        %dma_start3A_73 = arith.constant 0 : i32
        %dma_start3A_74 = tpu.memref_slice %arg5[%add3A_72, %dma_start3A_73] : memref<40x128xi32, #tpu.memory_space<vmem>> -> memref<1x128xi32, #tpu.memory_space<vmem>>
        %dma_start3A_75 = tpu.memref_squeeze %dma_start3A_74 : memref<1x128xi32, #tpu.memory_space<vmem>> -> memref<128xi32, #tpu.memory_space<vmem>>
        %dma_start3A_76 = arith.constant 0 : i32
        %dma_start3A_77 = arith.constant 0 : i32
        %dma_start3A_78 = tpu.memref_slice %arg3[%dma_start3A_76, %dma_start3A_77] : memref<10240x128xf32, #tpu.memory_space<hbm>> -> memref<10240x128xf32, #tpu.memory_space<hbm>>
        tpu.enqueue_indirect_dma source(%dma_start3A_78 : memref<10240x128xf32, #tpu.memory_space<hbm>>) target(%arg7 : memref<128x128xf32, #tpu.memory_space<vmem>>) offsets(%dma_start3A_75 : memref<128xi32, #tpu.memory_space<vmem>>) semaphore(%arg10 : memref<!tpu.dma_semaphore, #tpu.memory_space<semaphore_mem>>)
      } else {
      }
      %add3A_61 = arith.constant 1 : i32
      %add3A_62 = arith.addi %add3A_43, %add3A_61 : i32
      %dma_wait3A_63 = arith.constant 0 : i32
      %dma_wait3A_64 = tpu.memref_slice %arg5[%add3A_62, %dma_wait3A_63] : memref<40x128xi32, #tpu.memory_space<vmem>> -> memref<1x128xi32, #tpu.memory_space<vmem>>
      %dma_wait3A_65 = tpu.memref_squeeze %dma_wait3A_64 : memref<1x128xi32, #tpu.memory_space<vmem>> -> memref<128xi32, #tpu.memory_space<vmem>>
      %dma_wait3A_66 = arith.constant 0 : i32
      %dma_wait3A_67 = arith.constant 0 : i32
      %dma_wait3A_68 = tpu.memref_slice %arg3[%dma_wait3A_66, %dma_wait3A_67] : memref<10240x128xf32, #tpu.memory_space<hbm>> -> memref<10240x128xf32, #tpu.memory_space<hbm>>
      tpu.wait_indirect_dma semaphore(%arg11 : memref<!tpu.dma_semaphore, #tpu.memory_space<semaphore_mem>>) src(%dma_wait3A_68 : memref<10240x128xf32, #tpu.memory_space<hbm>>) dst(%arg8 : memref<128x128xf32, #tpu.memory_space<vmem>>)
      %add3A_69 = arith.constant 1 : i32
      %add3A_70 = arith.addi %add3A_43, %add3A_69 : i32
      "tpu.region"() ({
        %run_scoped3A_71 = tpu.sem_alloc : memref<!tpu.dma_semaphore, #tpu.memory_space<semaphore_mem>>
        %dma_start3A_72 = arith.constant 0 : i32
        %dma_start3A_73 = tpu.memref_slice %arg6[%add3A_70, %dma_start3A_72] : memref<40x128xi32, #tpu.memory_space<vmem>> -> memref<1x128xi32, #tpu.memory_space<vmem>>
        %dma_start3A_74 = tpu.memref_squeeze %dma_start3A_73 : memref<1x128xi32, #tpu.memory_space<vmem>> -> memref<128xi32, #tpu.memory_space<vmem>>
        %dma_start3A_75 = arith.constant 0 : i32
        %dma_start3A_76 = arith.constant 0 : i32
        %dma_start3A_77 = tpu.memref_slice %arg9[%dma_start3A_75, %dma_start3A_76] : memref<10240x128xf32, #tpu.memory_space<vmem_shared>> -> memref<10240x128xf32, #tpu.memory_space<vmem_shared>>
        tpu.enqueue_indirect_dma source(%arg8 : memref<128x128xf32, #tpu.memory_space<vmem>>) target(%dma_start3A_77 : memref<10240x128xf32, #tpu.memory_space<vmem_shared>>) offsets(%dma_start3A_74 : memref<128xi32, #tpu.memory_space<vmem>>) semaphore(%run_scoped3A_71 : memref<!tpu.dma_semaphore, #tpu.memory_space<semaphore_mem>>) {add = true}
        %dma_wait3A_78 = arith.constant 0 : i32
        %dma_wait3A_79 = tpu.memref_slice %arg6[%add3A_70, %dma_wait3A_78] : memref<40x128xi32, #tpu.memory_space<vmem>> -> memref<1x128xi32, #tpu.memory_space<vmem>>
        %dma_wait3A_80 = tpu.memref_squeeze %dma_wait3A_79 : memref<1x128xi32, #tpu.memory_space<vmem>> -> memref<128xi32, #tpu.memory_space<vmem>>
        %dma_wait3A_81 = arith.constant 0 : i32
        %dma_wait3A_82 = arith.constant 0 : i32
        %dma_wait3A_83 = tpu.memref_slice %arg9[%dma_wait3A_81, %dma_wait3A_82] : memref<10240x128xf32, #tpu.memory_space<vmem_shared>> -> memref<10240x128xf32, #tpu.memory_space<vmem_shared>>
        tpu.wait_indirect_dma semaphore(%run_scoped3A_71 : memref<!tpu.dma_semaphore, #tpu.memory_space<semaphore_mem>>) src(%arg8 : memref<128x128xf32, #tpu.memory_space<vmem>>) dst(%dma_wait3A_83 : memref<10240x128xf32, #tpu.memory_space<vmem_shared>>)
        tpu.yield
      }) : () -> ()
    }
    %scan3A_19 = arith.constant 20 : i32
    %add3A_20 = arith.constant 40 : i32
    %add3A_21 = arith.addi %mul3A_4, %add3A_20 : i32
    %run_scoped3A_22 = arith.constant 0 : i32
    "tpu.region"() ({
      %run_scoped3A_39 = tpu.sem_alloc : memref<!tpu.dma_semaphore, #tpu.memory_space<semaphore_mem>>
      %dma_start3A_40 = arith.constant 0 : i32
      %dma_start3A_41 = tpu.memref_slice %arg2[%run_scoped3A_22, %add3A_21, %dma_start3A_40] : memref<2x2560x128xi32, #tpu.memory_space<hbm>> -> memref<1x40x128xi32, #tpu.memory_space<hbm>>
      %dma_start3A_42 = tpu.memref_squeeze %dma_start3A_41 : memref<1x40x128xi32, #tpu.memory_space<hbm>> -> memref<40x128xi32, #tpu.memory_space<hbm>>
      %dma_start3A_43 = arith.constant 0 : i32
      %dma_start3A_44 = tpu.memref_slice %arg2[%run_scoped3A_22, %add3A_21, %dma_start3A_43] : memref<2x2560x128xi32, #tpu.memory_space<hbm>> -> memref<1x40x128xi32, #tpu.memory_space<hbm>>
      %dma_start3A_45 = tpu.memref_squeeze %dma_start3A_44 : memref<1x40x128xi32, #tpu.memory_space<hbm>> -> memref<40x128xi32, #tpu.memory_space<hbm>>
      tpu.enqueue_dma source(%dma_start3A_45 : memref<40x128xi32, #tpu.memory_space<hbm>>) target(%arg5 : memref<40x128xi32, #tpu.memory_space<vmem>>) target_semaphore(%run_scoped3A_39 : memref<!tpu.dma_semaphore, #tpu.memory_space<semaphore_mem>>)
      %dma_wait3A = arith.constant 0 : i32
      %dma_wait3A_46 = tpu.memref_slice %arg2[%run_scoped3A_22, %add3A_21, %dma_wait3A] : memref<2x2560x128xi32, #tpu.memory_space<hbm>> -> memref<1x40x128xi32, #tpu.memory_space<hbm>>
      %dma_wait3A_47 = tpu.memref_squeeze %dma_wait3A_46 : memref<1x40x128xi32, #tpu.memory_space<hbm>> -> memref<40x128xi32, #tpu.memory_space<hbm>>
      %dma_wait3A_48 = arith.constant 0 : i32
      %dma_wait3A_49 = tpu.memref_slice %arg2[%run_scoped3A_22, %add3A_21, %dma_wait3A_48] : memref<2x2560x128xi32, #tpu.memory_space<hbm>> -> memref<1x40x128xi32, #tpu.memory_space<hbm>>
      %dma_wait3A_50 = tpu.memref_squeeze %dma_wait3A_49 : memref<1x40x128xi32, #tpu.memory_space<hbm>> -> memref<40x128xi32, #tpu.memory_space<hbm>>
      tpu.wait_dma2 semaphore(%run_scoped3A_39 : memref<!tpu.dma_semaphore, #tpu.memory_space<semaphore_mem>>) src(%dma_wait3A_50 : memref<40x128xi32, #tpu.memory_space<hbm>>) dst(%arg5 : memref<40x128xi32, #tpu.memory_space<vmem>>)
      tpu.yield
    }) : () -> ()
    %add3A_23 = arith.constant 40 : i32
    %add3A_24 = arith.addi %mul3A_4, %add3A_23 : i32
    %run_scoped3A_25 = arith.constant 1 : i32
    "tpu.region"() ({
      %run_scoped3A_39 = tpu.sem_alloc : memref<!tpu.dma_semaphore, #tpu.memory_space<semaphore_mem>>
      %dma_start3A_40 = arith.constant 0 : i32
      %dma_start3A_41 = tpu.memref_slice %arg2[%run_scoped3A_25, %add3A_24, %dma_start3A_40] : memref<2x2560x128xi32, #tpu.memory_space<hbm>> -> memref<1x40x128xi32, #tpu.memory_space<hbm>>
      %dma_start3A_42 = tpu.memref_squeeze %dma_start3A_41 : memref<1x40x128xi32, #tpu.memory_space<hbm>> -> memref<40x128xi32, #tpu.memory_space<hbm>>
      %dma_start3A_43 = arith.constant 0 : i32
      %dma_start3A_44 = tpu.memref_slice %arg2[%run_scoped3A_25, %add3A_24, %dma_start3A_43] : memref<2x2560x128xi32, #tpu.memory_space<hbm>> -> memref<1x40x128xi32, #tpu.memory_space<hbm>>
      %dma_start3A_45 = tpu.memref_squeeze %dma_start3A_44 : memref<1x40x128xi32, #tpu.memory_space<hbm>> -> memref<40x128xi32, #tpu.memory_space<hbm>>
      tpu.enqueue_dma source(%dma_start3A_45 : memref<40x128xi32, #tpu.memory_space<hbm>>) target(%arg6 : memref<40x128xi32, #tpu.memory_space<vmem>>) target_semaphore(%run_scoped3A_39 : memref<!tpu.dma_semaphore, #tpu.memory_space<semaphore_mem>>)
      %dma_wait3A = arith.constant 0 : i32
      %dma_wait3A_46 = tpu.memref_slice %arg2[%run_scoped3A_25, %add3A_24, %dma_wait3A] : memref<2x2560x128xi32, #tpu.memory_space<hbm>> -> memref<1x40x128xi32, #tpu.memory_space<hbm>>
      %dma_wait3A_47 = tpu.memref_squeeze %dma_wait3A_46 : memref<1x40x128xi32, #tpu.memory_space<hbm>> -> memref<40x128xi32, #tpu.memory_space<hbm>>
      %dma_wait3A_48 = arith.constant 0 : i32
      %dma_wait3A_49 = tpu.memref_slice %arg2[%run_scoped3A_25, %add3A_24, %dma_wait3A_48] : memref<2x2560x128xi32, #tpu.memory_space<hbm>> -> memref<1x40x128xi32, #tpu.memory_space<hbm>>
      %dma_wait3A_50 = tpu.memref_squeeze %dma_wait3A_49 : memref<1x40x128xi32, #tpu.memory_space<hbm>> -> memref<40x128xi32, #tpu.memory_space<hbm>>
      tpu.wait_dma2 semaphore(%run_scoped3A_39 : memref<!tpu.dma_semaphore, #tpu.memory_space<semaphore_mem>>) src(%dma_wait3A_50 : memref<40x128xi32, #tpu.memory_space<hbm>>) dst(%arg6 : memref<40x128xi32, #tpu.memory_space<vmem>>)
      tpu.yield
    }) : () -> ()
    %dma_start3A_26 = arith.constant 0 : i32
    %dma_start3A_27 = arith.constant 0 : i32
    %dma_start3A_28 = tpu.memref_slice %arg5[%dma_start3A_26, %dma_start3A_27] : memref<40x128xi32, #tpu.memory_space<vmem>> -> memref<1x128xi32, #tpu.memory_space<vmem>>
    %dma_start3A_29 = tpu.memref_squeeze %dma_start3A_28 : memref<1x128xi32, #tpu.memory_space<vmem>> -> memref<128xi32, #tpu.memory_space<vmem>>
    %dma_start3A_30 = arith.constant 0 : i32
    %dma_start3A_31 = arith.constant 0 : i32
    %dma_start3A_32 = tpu.memref_slice %arg3[%dma_start3A_30, %dma_start3A_31] : memref<10240x128xf32, #tpu.memory_space<hbm>> -> memref<10240x128xf32, #tpu.memory_space<hbm>>
    tpu.enqueue_indirect_dma source(%dma_start3A_32 : memref<10240x128xf32, #tpu.memory_space<hbm>>) target(%arg7 : memref<128x128xf32, #tpu.memory_space<vmem>>) offsets(%dma_start3A_29 : memref<128xi32, #tpu.memory_space<vmem>>) semaphore(%arg10 : memref<!tpu.dma_semaphore, #tpu.memory_space<semaphore_mem>>)
    %scan3A_33 = arith.constant 0 : i32
    %scan3A_34 = arith.constant 20 : i32
    %scan3A_35 = arith.addi %scan3A_33, %scan3A_34 : i32
    %scan3A_36 = arith.constant 1 : i32
    scf.for %scan3A_39 = %scan3A_33 to %scan3A_35 step %scan3A_36  : i32 {
      %mul3A_40 = arith.constant 2 : i32
      %mul3A_41 = arith.muli %scan3A_39, %mul3A_40 : i32
      %add3A_42 = arith.constant 0 : i32
      %add3A_43 = arith.addi %add3A_42, %mul3A_41 : i32
      %add3A_44 = arith.constant 1 : i32
      %add3A_45 = arith.addi %add3A_43, %add3A_44 : i32
      %dma_start3A_46 = arith.constant 0 : i32
      %dma_start3A_47 = tpu.memref_slice %arg5[%add3A_45, %dma_start3A_46] : memref<40x128xi32, #tpu.memory_space<vmem>> -> memref<1x128xi32, #tpu.memory_space<vmem>>
      %dma_start3A_48 = tpu.memref_squeeze %dma_start3A_47 : memref<1x128xi32, #tpu.memory_space<vmem>> -> memref<128xi32, #tpu.memory_space<vmem>>
      %dma_start3A_49 = arith.constant 0 : i32
      %dma_start3A_50 = arith.constant 0 : i32
      %dma_start3A_51 = tpu.memref_slice %arg3[%dma_start3A_49, %dma_start3A_50] : memref<10240x128xf32, #tpu.memory_space<hbm>> -> memref<10240x128xf32, #tpu.memory_space<hbm>>
      tpu.enqueue_indirect_dma source(%dma_start3A_51 : memref<10240x128xf32, #tpu.memory_space<hbm>>) target(%arg8 : memref<128x128xf32, #tpu.memory_space<vmem>>) offsets(%dma_start3A_48 : memref<128xi32, #tpu.memory_space<vmem>>) semaphore(%arg11 : memref<!tpu.dma_semaphore, #tpu.memory_space<semaphore_mem>>)
      %dma_wait3A = arith.constant 0 : i32
      %dma_wait3A_52 = tpu.memref_slice %arg5[%add3A_43, %dma_wait3A] : memref<40x128xi32, #tpu.memory_space<vmem>> -> memref<1x128xi32, #tpu.memory_space<vmem>>
      %dma_wait3A_53 = tpu.memref_squeeze %dma_wait3A_52 : memref<1x128xi32, #tpu.memory_space<vmem>> -> memref<128xi32, #tpu.memory_space<vmem>>
      %dma_wait3A_54 = arith.constant 0 : i32
      %dma_wait3A_55 = arith.constant 0 : i32
      %dma_wait3A_56 = tpu.memref_slice %arg3[%dma_wait3A_54, %dma_wait3A_55] : memref<10240x128xf32, #tpu.memory_space<hbm>> -> memref<10240x128xf32, #tpu.memory_space<hbm>>
      tpu.wait_indirect_dma semaphore(%arg10 : memref<!tpu.dma_semaphore, #tpu.memory_space<semaphore_mem>>) src(%dma_wait3A_56 : memref<10240x128xf32, #tpu.memory_space<hbm>>) dst(%arg7 : memref<128x128xf32, #tpu.memory_space<vmem>>)
      "tpu.region"() ({
        %run_scoped3A_71 = tpu.sem_alloc : memref<!tpu.dma_semaphore, #tpu.memory_space<semaphore_mem>>
        %dma_start3A_72 = arith.constant 0 : i32
        %dma_start3A_73 = tpu.memref_slice %arg6[%add3A_43, %dma_start3A_72] : memref<40x128xi32, #tpu.memory_space<vmem>> -> memref<1x128xi32, #tpu.memory_space<vmem>>
        %dma_start3A_74 = tpu.memref_squeeze %dma_start3A_73 : memref<1x128xi32, #tpu.memory_space<vmem>> -> memref<128xi32, #tpu.memory_space<vmem>>
        %dma_start3A_75 = arith.constant 0 : i32
        %dma_start3A_76 = arith.constant 0 : i32
        %dma_start3A_77 = tpu.memref_slice %arg9[%dma_start3A_75, %dma_start3A_76] : memref<10240x128xf32, #tpu.memory_space<vmem_shared>> -> memref<10240x128xf32, #tpu.memory_space<vmem_shared>>
        tpu.enqueue_indirect_dma source(%arg7 : memref<128x128xf32, #tpu.memory_space<vmem>>) target(%dma_start3A_77 : memref<10240x128xf32, #tpu.memory_space<vmem_shared>>) offsets(%dma_start3A_74 : memref<128xi32, #tpu.memory_space<vmem>>) semaphore(%run_scoped3A_71 : memref<!tpu.dma_semaphore, #tpu.memory_space<semaphore_mem>>) {add = true}
        %dma_wait3A_78 = arith.constant 0 : i32
        %dma_wait3A_79 = tpu.memref_slice %arg6[%add3A_43, %dma_wait3A_78] : memref<40x128xi32, #tpu.memory_space<vmem>> -> memref<1x128xi32, #tpu.memory_space<vmem>>
        %dma_wait3A_80 = tpu.memref_squeeze %dma_wait3A_79 : memref<1x128xi32, #tpu.memory_space<vmem>> -> memref<128xi32, #tpu.memory_space<vmem>>
        %dma_wait3A_81 = arith.constant 0 : i32
        %dma_wait3A_82 = arith.constant 0 : i32
        %dma_wait3A_83 = tpu.memref_slice %arg9[%dma_wait3A_81, %dma_wait3A_82] : memref<10240x128xf32, #tpu.memory_space<vmem_shared>> -> memref<10240x128xf32, #tpu.memory_space<vmem_shared>>
        tpu.wait_indirect_dma semaphore(%run_scoped3A_71 : memref<!tpu.dma_semaphore, #tpu.memory_space<semaphore_mem>>) src(%arg7 : memref<128x128xf32, #tpu.memory_space<vmem>>) dst(%dma_wait3A_83 : memref<10240x128xf32, #tpu.memory_space<vmem_shared>>)
        tpu.yield
      }) : () -> ()
      %add3A_57 = arith.constant 2 : i32
      %add3A_58 = arith.addi %add3A_43, %add3A_57 : i32
      %lt3A = arith.constant 40 : i32
      %lt3A_59 = arith.cmpi slt, %add3A_58, %lt3A : i32
      %convert_element_type3A = arith.extui %lt3A_59 : i1 to i32
      %cond3A = arith.constant 0 : i32
      %cond3A_60 = arith.cmpi ne, %convert_element_type3A, %cond3A : i32
      scf.if %cond3A_60 {
        %add3A_71 = arith.constant 2 : i32
        %add3A_72 = arith.addi %add3A_43, %add3A_71 : i32
        %dma_start3A_73 = arith.constant 0 : i32
        %dma_start3A_74 = tpu.memref_slice %arg5[%add3A_72, %dma_start3A_73] : memref<40x128xi32, #tpu.memory_space<vmem>> -> memref<1x128xi32, #tpu.memory_space<vmem>>
        %dma_start3A_75 = tpu.memref_squeeze %dma_start3A_74 : memref<1x128xi32, #tpu.memory_space<vmem>> -> memref<128xi32, #tpu.memory_space<vmem>>
        %dma_start3A_76 = arith.constant 0 : i32
        %dma_start3A_77 = arith.constant 0 : i32
        %dma_start3A_78 = tpu.memref_slice %arg3[%dma_start3A_76, %dma_start3A_77] : memref<10240x128xf32, #tpu.memory_space<hbm>> -> memref<10240x128xf32, #tpu.memory_space<hbm>>
        tpu.enqueue_indirect_dma source(%dma_start3A_78 : memref<10240x128xf32, #tpu.memory_space<hbm>>) target(%arg7 : memref<128x128xf32, #tpu.memory_space<vmem>>) offsets(%dma_start3A_75 : memref<128xi32, #tpu.memory_space<vmem>>) semaphore(%arg10 : memref<!tpu.dma_semaphore, #tpu.memory_space<semaphore_mem>>)
      } else {
      }
      %add3A_61 = arith.constant 1 : i32
      %add3A_62 = arith.addi %add3A_43, %add3A_61 : i32
      %dma_wait3A_63 = arith.constant 0 : i32
      %dma_wait3A_64 = tpu.memref_slice %arg5[%add3A_62, %dma_wait3A_63] : memref<40x128xi32, #tpu.memory_space<vmem>> -> memref<1x128xi32, #tpu.memory_space<vmem>>
      %dma_wait3A_65 = tpu.memref_squeeze %dma_wait3A_64 : memref<1x128xi32, #tpu.memory_space<vmem>> -> memref<128xi32, #tpu.memory_space<vmem>>
      %dma_wait3A_66 = arith.constant 0 : i32
      %dma_wait3A_67 = arith.constant 0 : i32
      %dma_wait3A_68 = tpu.memref_slice %arg3[%dma_wait3A_66, %dma_wait3A_67] : memref<10240x128xf32, #tpu.memory_space<hbm>> -> memref<10240x128xf32, #tpu.memory_space<hbm>>
      tpu.wait_indirect_dma semaphore(%arg11 : memref<!tpu.dma_semaphore, #tpu.memory_space<semaphore_mem>>) src(%dma_wait3A_68 : memref<10240x128xf32, #tpu.memory_space<hbm>>) dst(%arg8 : memref<128x128xf32, #tpu.memory_space<vmem>>)
      %add3A_69 = arith.constant 1 : i32
      %add3A_70 = arith.addi %add3A_43, %add3A_69 : i32
      "tpu.region"() ({
        %run_scoped3A_71 = tpu.sem_alloc : memref<!tpu.dma_semaphore, #tpu.memory_space<semaphore_mem>>
        %dma_start3A_72 = arith.constant 0 : i32
        %dma_start3A_73 = tpu.memref_slice %arg6[%add3A_70, %dma_start3A_72] : memref<40x128xi32, #tpu.memory_space<vmem>> -> memref<1x128xi32, #tpu.memory_space<vmem>>
        %dma_start3A_74 = tpu.memref_squeeze %dma_start3A_73 : memref<1x128xi32, #tpu.memory_space<vmem>> -> memref<128xi32, #tpu.memory_space<vmem>>
        %dma_start3A_75 = arith.constant 0 : i32
        %dma_start3A_76 = arith.constant 0 : i32
        %dma_start3A_77 = tpu.memref_slice %arg9[%dma_start3A_75, %dma_start3A_76] : memref<10240x128xf32, #tpu.memory_space<vmem_shared>> -> memref<10240x128xf32, #tpu.memory_space<vmem_shared>>
        tpu.enqueue_indirect_dma source(%arg8 : memref<128x128xf32, #tpu.memory_space<vmem>>) target(%dma_start3A_77 : memref<10240x128xf32, #tpu.memory_space<vmem_shared>>) offsets(%dma_start3A_74 : memref<128xi32, #tpu.memory_space<vmem>>) semaphore(%run_scoped3A_71 : memref<!tpu.dma_semaphore, #tpu.memory_space<semaphore_mem>>) {add = true}
        %dma_wait3A_78 = arith.constant 0 : i32
        %dma_wait3A_79 = tpu.memref_slice %arg6[%add3A_70, %dma_wait3A_78] : memref<40x128xi32, #tpu.memory_space<vmem>> -> memref<1x128xi32, #tpu.memory_space<vmem>>
        %dma_wait3A_80 = tpu.memref_squeeze %dma_wait3A_79 : memref<1x128xi32, #tpu.memory_space<vmem>> -> memref<128xi32, #tpu.memory_space<vmem>>
        %dma_wait3A_81 = arith.constant 0 : i32
        %dma_wait3A_82 = arith.constant 0 : i32
        %dma_wait3A_83 = tpu.memref_slice %arg9[%dma_wait3A_81, %dma_wait3A_82] : memref<10240x128xf32, #tpu.memory_space<vmem_shared>> -> memref<10240x128xf32, #tpu.memory_space<vmem_shared>>
        tpu.wait_indirect_dma semaphore(%run_scoped3A_71 : memref<!tpu.dma_semaphore, #tpu.memory_space<semaphore_mem>>) src(%arg8 : memref<128x128xf32, #tpu.memory_space<vmem>>) dst(%dma_wait3A_83 : memref<10240x128xf32, #tpu.memory_space<vmem_shared>>)
        tpu.yield
      }) : () -> ()
    }
    %scan3A_37 = arith.constant 20 : i32
    %barrier3A_38 = arith.constant 0 : index
    tpu.barrier barrier_id(%barrier3A_38)
    "tpu.region"() ({
      %run_scoped3A_39 = tpu.sem_alloc : memref<!tpu.dma_semaphore, #tpu.memory_space<semaphore_mem>>
      %dma_start3A_40 = arith.constant 0 : i32
      %dma_start3A_41 = tpu.memref_slice %arg4[%arg0, %mul3A_0, %dma_start3A_40] : memref<2x10240x128xf32, #tpu.memory_space<hbm>> -> memref<1x640x128xf32, #tpu.memory_space<hbm>>
      %dma_start3A_42 = tpu.memref_squeeze %dma_start3A_41 : memref<1x640x128xf32, #tpu.memory_space<hbm>> -> memref<640x128xf32, #tpu.memory_space<hbm>>
      %dma_start3A_43 = arith.constant 0 : i32
      %dma_start3A_44 = tpu.memref_slice %arg9[%mul3A_0, %dma_start3A_43] : memref<10240x128xf32, #tpu.memory_space<vmem_shared>> -> memref<640x128xf32, #tpu.memory_space<vmem_shared>>
      tpu.enqueue_dma source(%dma_start3A_44 : memref<640x128xf32, #tpu.memory_space<vmem_shared>>) target(%dma_start3A_42 : memref<640x128xf32, #tpu.memory_space<hbm>>) target_semaphore(%run_scoped3A_39 : memref<!tpu.dma_semaphore, #tpu.memory_space<semaphore_mem>>)
      %dma_wait3A = arith.constant 0 : i32
      %dma_wait3A_45 = tpu.memref_slice %arg4[%arg0, %mul3A_0, %dma_wait3A] : memref<2x10240x128xf32, #tpu.memory_space<hbm>> -> memref<1x640x128xf32, #tpu.memory_space<hbm>>
      %dma_wait3A_46 = tpu.memref_squeeze %dma_wait3A_45 : memref<1x640x128xf32, #tpu.memory_space<hbm>> -> memref<640x128xf32, #tpu.memory_space<hbm>>
      %dma_wait3A_47 = arith.constant 0 : i32
      %dma_wait3A_48 = tpu.memref_slice %arg9[%mul3A_0, %dma_wait3A_47] : memref<10240x128xf32, #tpu.memory_space<vmem_shared>> -> memref<640x128xf32, #tpu.memory_space<vmem_shared>>
      tpu.wait_dma2 semaphore(%run_scoped3A_39 : memref<!tpu.dma_semaphore, #tpu.memory_space<semaphore_mem>>) src(%dma_wait3A_48 : memref<640x128xf32, #tpu.memory_space<vmem_shared>>) dst(%dma_wait3A_46 : memref<640x128xf32, #tpu.memory_space<hbm>>)
      tpu.yield
    }) : () -> ()
    return
  }
}

#map = affine_map<(d0, d1) -> (0, 0, 0)>
#map1 = affine_map<(d0, d1) -> (0, 0)>
module attributes {stable_mosaic.version = 14 : i64} {
  func.func @_sc_agg_body(%arg0: i32, %arg1: i32, %arg2: memref<2x2560x128xi32, #tpu.memory_space<hbm>>, %arg3: memref<10240x128xf32, #tpu.memory_space<hbm>>, %arg4: memref<2x10240x128xf32, #tpu.memory_space<hbm>>, %arg5: memref<40x128xi32, #tpu.memory_space<vmem>>, %arg6: memref<40x128xi32, #tpu.memory_space<vmem>>, %arg7: memref<128x128xf32, #tpu.memory_space<vmem>>, %arg8: memref<128x128xf32, #tpu.memory_space<vmem>>, %arg9: memref<10240x128xf32, #tpu.memory_space<vmem_shared>>, %arg10: memref<!tpu.dma_semaphore, #tpu.memory_space<semaphore_mem>>, %arg11: memref<!tpu.dma_semaphore, #tpu.memory_space<semaphore_mem>>, %arg12: memref<!tpu.dma_semaphore, #tpu.memory_space<semaphore_mem>>, %arg13: memref<!tpu.dma_semaphore, #tpu.memory_space<semaphore_mem>>) attributes {dimension_semantics = [#tpu.dimension_semantics<core_parallel>, #tpu.dimension_semantics<subcore_parallel>], iteration_bounds = array<i64: 2, 16>, scalar_prefetch = 0 : i64, scratch_operands = 9 : i64, tpu.core_type = #tpu.core_type<sc_vector_subcore>, window_params = [{transform_indices = #map}, {transform_indices = #map1}, {transform_indices = #map}]} {
    %mul3A = arith.constant 640 : i32
    %mul3A_0 = arith.muli %arg1, %mul3A : i32
    "tpu.region"() ({
      %run_scoped3A_39 = tpu.sem_alloc : memref<!tpu.dma_semaphore, #tpu.memory_space<semaphore_mem>>
      %dma_start3A_40 = arith.constant 0 : i32
      %dma_start3A_41 = tpu.memref_slice %arg9[%mul3A_0, %dma_start3A_40] : memref<10240x128xf32, #tpu.memory_space<vmem_shared>> -> memref<640x128xf32, #tpu.memory_space<vmem_shared>>
      %dma_start3A_42 = arith.constant 0 : i32
      %dma_start3A_43 = tpu.memref_slice %arg3[%mul3A_0, %dma_start3A_42] : memref<10240x128xf32, #tpu.memory_space<hbm>> -> memref<640x128xf32, #tpu.memory_space<hbm>>
      tpu.enqueue_dma source(%dma_start3A_43 : memref<640x128xf32, #tpu.memory_space<hbm>>) target(%dma_start3A_41 : memref<640x128xf32, #tpu.memory_space<vmem_shared>>) target_semaphore(%run_scoped3A_39 : memref<!tpu.dma_semaphore, #tpu.memory_space<semaphore_mem>>)
      %dma_wait3A = arith.constant 0 : i32
      %dma_wait3A_44 = tpu.memref_slice %arg9[%mul3A_0, %dma_wait3A] : memref<10240x128xf32, #tpu.memory_space<vmem_shared>> -> memref<640x128xf32, #tpu.memory_space<vmem_shared>>
      %dma_wait3A_45 = arith.constant 0 : i32
      %dma_wait3A_46 = tpu.memref_slice %arg3[%mul3A_0, %dma_wait3A_45] : memref<10240x128xf32, #tpu.memory_space<hbm>> -> memref<640x128xf32, #tpu.memory_space<hbm>>
      tpu.wait_dma2 semaphore(%run_scoped3A_39 : memref<!tpu.dma_semaphore, #tpu.memory_space<semaphore_mem>>) src(%dma_wait3A_46 : memref<640x128xf32, #tpu.memory_space<hbm>>) dst(%dma_wait3A_44 : memref<640x128xf32, #tpu.memory_space<vmem_shared>>)
      tpu.yield
    }) : () -> ()
    %mul3A_1 = arith.constant 16 : i32
    %mul3A_2 = arith.muli %arg0, %mul3A_1 : i32
    %add3A = arith.addi %mul3A_2, %arg1 : i32
    %mul3A_3 = arith.constant 80 : i32
    %mul3A_4 = arith.muli %add3A, %mul3A_3 : i32
    %barrier3A = arith.constant 0 : index
    tpu.barrier barrier_id(%barrier3A)
    %add3A_5 = arith.constant 0 : i32
    %add3A_6 = arith.addi %mul3A_4, %add3A_5 : i32
    %run_scoped3A = arith.constant 0 : i32
    "tpu.region"() ({
      %run_scoped3A_39 = tpu.sem_alloc : memref<!tpu.dma_semaphore, #tpu.memory_space<semaphore_mem>>
      %dma_start3A_40 = arith.constant 0 : i32
      %dma_start3A_41 = tpu.memref_slice %arg2[%run_scoped3A, %add3A_6, %dma_start3A_40] : memref<2x2560x128xi32, #tpu.memory_space<hbm>> -> memref<1x40x128xi32, #tpu.memory_space<hbm>>
      %dma_start3A_42 = tpu.memref_squeeze %dma_start3A_41 : memref<1x40x128xi32, #tpu.memory_space<hbm>> -> memref<40x128xi32, #tpu.memory_space<hbm>>
      %dma_start3A_43 = arith.constant 0 : i32
      %dma_start3A_44 = tpu.memref_slice %arg2[%run_scoped3A, %add3A_6, %dma_start3A_43] : memref<2x2560x128xi32, #tpu.memory_space<hbm>> -> memref<1x40x128xi32, #tpu.memory_space<hbm>>
      %dma_start3A_45 = tpu.memref_squeeze %dma_start3A_44 : memref<1x40x128xi32, #tpu.memory_space<hbm>> -> memref<40x128xi32, #tpu.memory_space<hbm>>
      tpu.enqueue_dma source(%dma_start3A_45 : memref<40x128xi32, #tpu.memory_space<hbm>>) target(%arg5 : memref<40x128xi32, #tpu.memory_space<vmem>>) target_semaphore(%run_scoped3A_39 : memref<!tpu.dma_semaphore, #tpu.memory_space<semaphore_mem>>)
      %dma_wait3A = arith.constant 0 : i32
      %dma_wait3A_46 = tpu.memref_slice %arg2[%run_scoped3A, %add3A_6, %dma_wait3A] : memref<2x2560x128xi32, #tpu.memory_space<hbm>> -> memref<1x40x128xi32, #tpu.memory_space<hbm>>
      %dma_wait3A_47 = tpu.memref_squeeze %dma_wait3A_46 : memref<1x40x128xi32, #tpu.memory_space<hbm>> -> memref<40x128xi32, #tpu.memory_space<hbm>>
      %dma_wait3A_48 = arith.constant 0 : i32
      %dma_wait3A_49 = tpu.memref_slice %arg2[%run_scoped3A, %add3A_6, %dma_wait3A_48] : memref<2x2560x128xi32, #tpu.memory_space<hbm>> -> memref<1x40x128xi32, #tpu.memory_space<hbm>>
      %dma_wait3A_50 = tpu.memref_squeeze %dma_wait3A_49 : memref<1x40x128xi32, #tpu.memory_space<hbm>> -> memref<40x128xi32, #tpu.memory_space<hbm>>
      tpu.wait_dma2 semaphore(%run_scoped3A_39 : memref<!tpu.dma_semaphore, #tpu.memory_space<semaphore_mem>>) src(%dma_wait3A_50 : memref<40x128xi32, #tpu.memory_space<hbm>>) dst(%arg5 : memref<40x128xi32, #tpu.memory_space<vmem>>)
      tpu.yield
    }) : () -> ()
    %add3A_7 = arith.constant 0 : i32
    %add3A_8 = arith.addi %mul3A_4, %add3A_7 : i32
    %run_scoped3A_9 = arith.constant 1 : i32
    "tpu.region"() ({
      %run_scoped3A_39 = tpu.sem_alloc : memref<!tpu.dma_semaphore, #tpu.memory_space<semaphore_mem>>
      %dma_start3A_40 = arith.constant 0 : i32
      %dma_start3A_41 = tpu.memref_slice %arg2[%run_scoped3A_9, %add3A_8, %dma_start3A_40] : memref<2x2560x128xi32, #tpu.memory_space<hbm>> -> memref<1x40x128xi32, #tpu.memory_space<hbm>>
      %dma_start3A_42 = tpu.memref_squeeze %dma_start3A_41 : memref<1x40x128xi32, #tpu.memory_space<hbm>> -> memref<40x128xi32, #tpu.memory_space<hbm>>
      %dma_start3A_43 = arith.constant 0 : i32
      %dma_start3A_44 = tpu.memref_slice %arg2[%run_scoped3A_9, %add3A_8, %dma_start3A_43] : memref<2x2560x128xi32, #tpu.memory_space<hbm>> -> memref<1x40x128xi32, #tpu.memory_space<hbm>>
      %dma_start3A_45 = tpu.memref_squeeze %dma_start3A_44 : memref<1x40x128xi32, #tpu.memory_space<hbm>> -> memref<40x128xi32, #tpu.memory_space<hbm>>
      tpu.enqueue_dma source(%dma_start3A_45 : memref<40x128xi32, #tpu.memory_space<hbm>>) target(%arg6 : memref<40x128xi32, #tpu.memory_space<vmem>>) target_semaphore(%run_scoped3A_39 : memref<!tpu.dma_semaphore, #tpu.memory_space<semaphore_mem>>)
      %dma_wait3A = arith.constant 0 : i32
      %dma_wait3A_46 = tpu.memref_slice %arg2[%run_scoped3A_9, %add3A_8, %dma_wait3A] : memref<2x2560x128xi32, #tpu.memory_space<hbm>> -> memref<1x40x128xi32, #tpu.memory_space<hbm>>
      %dma_wait3A_47 = tpu.memref_squeeze %dma_wait3A_46 : memref<1x40x128xi32, #tpu.memory_space<hbm>> -> memref<40x128xi32, #tpu.memory_space<hbm>>
      %dma_wait3A_48 = arith.constant 0 : i32
      %dma_wait3A_49 = tpu.memref_slice %arg2[%run_scoped3A_9, %add3A_8, %dma_wait3A_48] : memref<2x2560x128xi32, #tpu.memory_space<hbm>> -> memref<1x40x128xi32, #tpu.memory_space<hbm>>
      %dma_wait3A_50 = tpu.memref_squeeze %dma_wait3A_49 : memref<1x40x128xi32, #tpu.memory_space<hbm>> -> memref<40x128xi32, #tpu.memory_space<hbm>>
      tpu.wait_dma2 semaphore(%run_scoped3A_39 : memref<!tpu.dma_semaphore, #tpu.memory_space<semaphore_mem>>) src(%dma_wait3A_50 : memref<40x128xi32, #tpu.memory_space<hbm>>) dst(%arg6 : memref<40x128xi32, #tpu.memory_space<vmem>>)
      tpu.yield
    }) : () -> ()
    %dma_start3A = arith.constant 0 : i32
    %dma_start3A_10 = arith.constant 0 : i32
    %dma_start3A_11 = tpu.memref_slice %arg5[%dma_start3A, %dma_start3A_10] : memref<40x128xi32, #tpu.memory_space<vmem>> -> memref<1x128xi32, #tpu.memory_space<vmem>>
    %dma_start3A_12 = tpu.memref_squeeze %dma_start3A_11 : memref<1x128xi32, #tpu.memory_space<vmem>> -> memref<128xi32, #tpu.memory_space<vmem>>
    %dma_start3A_13 = arith.constant 0 : i32
    %dma_start3A_14 = arith.constant 0 : i32
    %dma_start3A_15 = tpu.memref_slice %arg3[%dma_start3A_13, %dma_start3A_14] : memref<10240x128xf32, #tpu.memory_space<hbm>> -> memref<10240x128xf32, #tpu.memory_space<hbm>>
    tpu.enqueue_indirect_dma source(%dma_start3A_15 : memref<10240x128xf32, #tpu.memory_space<hbm>>) target(%arg7 : memref<128x128xf32, #tpu.memory_space<vmem>>) offsets(%dma_start3A_12 : memref<128xi32, #tpu.memory_space<vmem>>) semaphore(%arg10 : memref<!tpu.dma_semaphore, #tpu.memory_space<semaphore_mem>>)
    %scan3A = arith.constant 0 : i32
    %scan3A_16 = arith.constant 20 : i32
    %scan3A_17 = arith.addi %scan3A, %scan3A_16 : i32
    %scan3A_18 = arith.constant 1 : i32
    scf.for %scan3A_39 = %scan3A to %scan3A_17 step %scan3A_18  : i32 {
      %mul3A_40 = arith.constant 2 : i32
      %mul3A_41 = arith.muli %scan3A_39, %mul3A_40 : i32
      %add3A_42 = arith.constant 0 : i32
      %add3A_43 = arith.addi %add3A_42, %mul3A_41 : i32
      %add3A_44 = arith.constant 1 : i32
      %add3A_45 = arith.addi %add3A_43, %add3A_44 : i32
      %dma_start3A_46 = arith.constant 0 : i32
      %dma_start3A_47 = tpu.memref_slice %arg5[%add3A_45, %dma_start3A_46] : memref<40x128xi32, #tpu.memory_space<vmem>> -> memref<1x128xi32, #tpu.memory_space<vmem>>
      %dma_start3A_48 = tpu.memref_squeeze %dma_start3A_47 : memref<1x128xi32, #tpu.memory_space<vmem>> -> memref<128xi32, #tpu.memory_space<vmem>>
      %dma_start3A_49 = arith.constant 0 : i32
      %dma_start3A_50 = arith.constant 0 : i32
      %dma_start3A_51 = tpu.memref_slice %arg3[%dma_start3A_49, %dma_start3A_50] : memref<10240x128xf32, #tpu.memory_space<hbm>> -> memref<10240x128xf32, #tpu.memory_space<hbm>>
      tpu.enqueue_indirect_dma source(%dma_start3A_51 : memref<10240x128xf32, #tpu.memory_space<hbm>>) target(%arg8 : memref<128x128xf32, #tpu.memory_space<vmem>>) offsets(%dma_start3A_48 : memref<128xi32, #tpu.memory_space<vmem>>) semaphore(%arg11 : memref<!tpu.dma_semaphore, #tpu.memory_space<semaphore_mem>>)
      %dma_wait3A = arith.constant 0 : i32
      %dma_wait3A_52 = tpu.memref_slice %arg5[%add3A_43, %dma_wait3A] : memref<40x128xi32, #tpu.memory_space<vmem>> -> memref<1x128xi32, #tpu.memory_space<vmem>>
      %dma_wait3A_53 = tpu.memref_squeeze %dma_wait3A_52 : memref<1x128xi32, #tpu.memory_space<vmem>> -> memref<128xi32, #tpu.memory_space<vmem>>
      %dma_wait3A_54 = arith.constant 0 : i32
      %dma_wait3A_55 = arith.constant 0 : i32
      %dma_wait3A_56 = tpu.memref_slice %arg3[%dma_wait3A_54, %dma_wait3A_55] : memref<10240x128xf32, #tpu.memory_space<hbm>> -> memref<10240x128xf32, #tpu.memory_space<hbm>>
      tpu.wait_indirect_dma semaphore(%arg10 : memref<!tpu.dma_semaphore, #tpu.memory_space<semaphore_mem>>) src(%dma_wait3A_56 : memref<10240x128xf32, #tpu.memory_space<hbm>>) dst(%arg7 : memref<128x128xf32, #tpu.memory_space<vmem>>)
      "tpu.region"() ({
        %run_scoped3A_71 = tpu.sem_alloc : memref<!tpu.dma_semaphore, #tpu.memory_space<semaphore_mem>>
        %dma_start3A_72 = arith.constant 0 : i32
        %dma_start3A_73 = tpu.memref_slice %arg6[%add3A_43, %dma_start3A_72] : memref<40x128xi32, #tpu.memory_space<vmem>> -> memref<1x128xi32, #tpu.memory_space<vmem>>
        %dma_start3A_74 = tpu.memref_squeeze %dma_start3A_73 : memref<1x128xi32, #tpu.memory_space<vmem>> -> memref<128xi32, #tpu.memory_space<vmem>>
        %dma_start3A_75 = arith.constant 0 : i32
        %dma_start3A_76 = arith.constant 0 : i32
        %dma_start3A_77 = tpu.memref_slice %arg9[%dma_start3A_75, %dma_start3A_76] : memref<10240x128xf32, #tpu.memory_space<vmem_shared>> -> memref<10240x128xf32, #tpu.memory_space<vmem_shared>>
        tpu.enqueue_indirect_dma source(%arg7 : memref<128x128xf32, #tpu.memory_space<vmem>>) target(%dma_start3A_77 : memref<10240x128xf32, #tpu.memory_space<vmem_shared>>) offsets(%dma_start3A_74 : memref<128xi32, #tpu.memory_space<vmem>>) semaphore(%run_scoped3A_71 : memref<!tpu.dma_semaphore, #tpu.memory_space<semaphore_mem>>) {add = true}
        %dma_wait3A_78 = arith.constant 0 : i32
        %dma_wait3A_79 = tpu.memref_slice %arg6[%add3A_43, %dma_wait3A_78] : memref<40x128xi32, #tpu.memory_space<vmem>> -> memref<1x128xi32, #tpu.memory_space<vmem>>
        %dma_wait3A_80 = tpu.memref_squeeze %dma_wait3A_79 : memref<1x128xi32, #tpu.memory_space<vmem>> -> memref<128xi32, #tpu.memory_space<vmem>>
        %dma_wait3A_81 = arith.constant 0 : i32
        %dma_wait3A_82 = arith.constant 0 : i32
        %dma_wait3A_83 = tpu.memref_slice %arg9[%dma_wait3A_81, %dma_wait3A_82] : memref<10240x128xf32, #tpu.memory_space<vmem_shared>> -> memref<10240x128xf32, #tpu.memory_space<vmem_shared>>
        tpu.wait_indirect_dma semaphore(%run_scoped3A_71 : memref<!tpu.dma_semaphore, #tpu.memory_space<semaphore_mem>>) src(%arg7 : memref<128x128xf32, #tpu.memory_space<vmem>>) dst(%dma_wait3A_83 : memref<10240x128xf32, #tpu.memory_space<vmem_shared>>)
        tpu.yield
      }) : () -> ()
      %add3A_57 = arith.constant 2 : i32
      %add3A_58 = arith.addi %add3A_43, %add3A_57 : i32
      %lt3A = arith.constant 40 : i32
      %lt3A_59 = arith.cmpi slt, %add3A_58, %lt3A : i32
      %convert_element_type3A = arith.extui %lt3A_59 : i1 to i32
      %cond3A = arith.constant 0 : i32
      %cond3A_60 = arith.cmpi ne, %convert_element_type3A, %cond3A : i32
      scf.if %cond3A_60 {
        %add3A_71 = arith.constant 2 : i32
        %add3A_72 = arith.addi %add3A_43, %add3A_71 : i32
        %dma_start3A_73 = arith.constant 0 : i32
        %dma_start3A_74 = tpu.memref_slice %arg5[%add3A_72, %dma_start3A_73] : memref<40x128xi32, #tpu.memory_space<vmem>> -> memref<1x128xi32, #tpu.memory_space<vmem>>
        %dma_start3A_75 = tpu.memref_squeeze %dma_start3A_74 : memref<1x128xi32, #tpu.memory_space<vmem>> -> memref<128xi32, #tpu.memory_space<vmem>>
        %dma_start3A_76 = arith.constant 0 : i32
        %dma_start3A_77 = arith.constant 0 : i32
        %dma_start3A_78 = tpu.memref_slice %arg3[%dma_start3A_76, %dma_start3A_77] : memref<10240x128xf32, #tpu.memory_space<hbm>> -> memref<10240x128xf32, #tpu.memory_space<hbm>>
        tpu.enqueue_indirect_dma source(%dma_start3A_78 : memref<10240x128xf32, #tpu.memory_space<hbm>>) target(%arg7 : memref<128x128xf32, #tpu.memory_space<vmem>>) offsets(%dma_start3A_75 : memref<128xi32, #tpu.memory_space<vmem>>) semaphore(%arg10 : memref<!tpu.dma_semaphore, #tpu.memory_space<semaphore_mem>>)
      } else {
      }
      %add3A_61 = arith.constant 1 : i32
      %add3A_62 = arith.addi %add3A_43, %add3A_61 : i32
      %dma_wait3A_63 = arith.constant 0 : i32
      %dma_wait3A_64 = tpu.memref_slice %arg5[%add3A_62, %dma_wait3A_63] : memref<40x128xi32, #tpu.memory_space<vmem>> -> memref<1x128xi32, #tpu.memory_space<vmem>>
      %dma_wait3A_65 = tpu.memref_squeeze %dma_wait3A_64 : memref<1x128xi32, #tpu.memory_space<vmem>> -> memref<128xi32, #tpu.memory_space<vmem>>
      %dma_wait3A_66 = arith.constant 0 : i32
      %dma_wait3A_67 = arith.constant 0 : i32
      %dma_wait3A_68 = tpu.memref_slice %arg3[%dma_wait3A_66, %dma_wait3A_67] : memref<10240x128xf32, #tpu.memory_space<hbm>> -> memref<10240x128xf32, #tpu.memory_space<hbm>>
      tpu.wait_indirect_dma semaphore(%arg11 : memref<!tpu.dma_semaphore, #tpu.memory_space<semaphore_mem>>) src(%dma_wait3A_68 : memref<10240x128xf32, #tpu.memory_space<hbm>>) dst(%arg8 : memref<128x128xf32, #tpu.memory_space<vmem>>)
      %add3A_69 = arith.constant 1 : i32
      %add3A_70 = arith.addi %add3A_43, %add3A_69 : i32
      "tpu.region"() ({
        %run_scoped3A_71 = tpu.sem_alloc : memref<!tpu.dma_semaphore, #tpu.memory_space<semaphore_mem>>
        %dma_start3A_72 = arith.constant 0 : i32
        %dma_start3A_73 = tpu.memref_slice %arg6[%add3A_70, %dma_start3A_72] : memref<40x128xi32, #tpu.memory_space<vmem>> -> memref<1x128xi32, #tpu.memory_space<vmem>>
        %dma_start3A_74 = tpu.memref_squeeze %dma_start3A_73 : memref<1x128xi32, #tpu.memory_space<vmem>> -> memref<128xi32, #tpu.memory_space<vmem>>
        %dma_start3A_75 = arith.constant 0 : i32
        %dma_start3A_76 = arith.constant 0 : i32
        %dma_start3A_77 = tpu.memref_slice %arg9[%dma_start3A_75, %dma_start3A_76] : memref<10240x128xf32, #tpu.memory_space<vmem_shared>> -> memref<10240x128xf32, #tpu.memory_space<vmem_shared>>
        tpu.enqueue_indirect_dma source(%arg8 : memref<128x128xf32, #tpu.memory_space<vmem>>) target(%dma_start3A_77 : memref<10240x128xf32, #tpu.memory_space<vmem_shared>>) offsets(%dma_start3A_74 : memref<128xi32, #tpu.memory_space<vmem>>) semaphore(%run_scoped3A_71 : memref<!tpu.dma_semaphore, #tpu.memory_space<semaphore_mem>>) {add = true}
        %dma_wait3A_78 = arith.constant 0 : i32
        %dma_wait3A_79 = tpu.memref_slice %arg6[%add3A_70, %dma_wait3A_78] : memref<40x128xi32, #tpu.memory_space<vmem>> -> memref<1x128xi32, #tpu.memory_space<vmem>>
        %dma_wait3A_80 = tpu.memref_squeeze %dma_wait3A_79 : memref<1x128xi32, #tpu.memory_space<vmem>> -> memref<128xi32, #tpu.memory_space<vmem>>
        %dma_wait3A_81 = arith.constant 0 : i32
        %dma_wait3A_82 = arith.constant 0 : i32
        %dma_wait3A_83 = tpu.memref_slice %arg9[%dma_wait3A_81, %dma_wait3A_82] : memref<10240x128xf32, #tpu.memory_space<vmem_shared>> -> memref<10240x128xf32, #tpu.memory_space<vmem_shared>>
        tpu.wait_indirect_dma semaphore(%run_scoped3A_71 : memref<!tpu.dma_semaphore, #tpu.memory_space<semaphore_mem>>) src(%arg8 : memref<128x128xf32, #tpu.memory_space<vmem>>) dst(%dma_wait3A_83 : memref<10240x128xf32, #tpu.memory_space<vmem_shared>>)
        tpu.yield
      }) : () -> ()
    }
    %scan3A_19 = arith.constant 20 : i32
    %add3A_20 = arith.constant 40 : i32
    %add3A_21 = arith.addi %mul3A_4, %add3A_20 : i32
    %run_scoped3A_22 = arith.constant 0 : i32
    "tpu.region"() ({
      %run_scoped3A_39 = tpu.sem_alloc : memref<!tpu.dma_semaphore, #tpu.memory_space<semaphore_mem>>
      %dma_start3A_40 = arith.constant 0 : i32
      %dma_start3A_41 = tpu.memref_slice %arg2[%run_scoped3A_22, %add3A_21, %dma_start3A_40] : memref<2x2560x128xi32, #tpu.memory_space<hbm>> -> memref<1x40x128xi32, #tpu.memory_space<hbm>>
      %dma_start3A_42 = tpu.memref_squeeze %dma_start3A_41 : memref<1x40x128xi32, #tpu.memory_space<hbm>> -> memref<40x128xi32, #tpu.memory_space<hbm>>
      %dma_start3A_43 = arith.constant 0 : i32
      %dma_start3A_44 = tpu.memref_slice %arg2[%run_scoped3A_22, %add3A_21, %dma_start3A_43] : memref<2x2560x128xi32, #tpu.memory_space<hbm>> -> memref<1x40x128xi32, #tpu.memory_space<hbm>>
      %dma_start3A_45 = tpu.memref_squeeze %dma_start3A_44 : memref<1x40x128xi32, #tpu.memory_space<hbm>> -> memref<40x128xi32, #tpu.memory_space<hbm>>
      tpu.enqueue_dma source(%dma_start3A_45 : memref<40x128xi32, #tpu.memory_space<hbm>>) target(%arg5 : memref<40x128xi32, #tpu.memory_space<vmem>>) target_semaphore(%run_scoped3A_39 : memref<!tpu.dma_semaphore, #tpu.memory_space<semaphore_mem>>)
      %dma_wait3A = arith.constant 0 : i32
      %dma_wait3A_46 = tpu.memref_slice %arg2[%run_scoped3A_22, %add3A_21, %dma_wait3A] : memref<2x2560x128xi32, #tpu.memory_space<hbm>> -> memref<1x40x128xi32, #tpu.memory_space<hbm>>
      %dma_wait3A_47 = tpu.memref_squeeze %dma_wait3A_46 : memref<1x40x128xi32, #tpu.memory_space<hbm>> -> memref<40x128xi32, #tpu.memory_space<hbm>>
      %dma_wait3A_48 = arith.constant 0 : i32
      %dma_wait3A_49 = tpu.memref_slice %arg2[%run_scoped3A_22, %add3A_21, %dma_wait3A_48] : memref<2x2560x128xi32, #tpu.memory_space<hbm>> -> memref<1x40x128xi32, #tpu.memory_space<hbm>>
      %dma_wait3A_50 = tpu.memref_squeeze %dma_wait3A_49 : memref<1x40x128xi32, #tpu.memory_space<hbm>> -> memref<40x128xi32, #tpu.memory_space<hbm>>
      tpu.wait_dma2 semaphore(%run_scoped3A_39 : memref<!tpu.dma_semaphore, #tpu.memory_space<semaphore_mem>>) src(%dma_wait3A_50 : memref<40x128xi32, #tpu.memory_space<hbm>>) dst(%arg5 : memref<40x128xi32, #tpu.memory_space<vmem>>)
      tpu.yield
    }) : () -> ()
    %add3A_23 = arith.constant 40 : i32
    %add3A_24 = arith.addi %mul3A_4, %add3A_23 : i32
    %run_scoped3A_25 = arith.constant 1 : i32
    "tpu.region"() ({
      %run_scoped3A_39 = tpu.sem_alloc : memref<!tpu.dma_semaphore, #tpu.memory_space<semaphore_mem>>
      %dma_start3A_40 = arith.constant 0 : i32
      %dma_start3A_41 = tpu.memref_slice %arg2[%run_scoped3A_25, %add3A_24, %dma_start3A_40] : memref<2x2560x128xi32, #tpu.memory_space<hbm>> -> memref<1x40x128xi32, #tpu.memory_space<hbm>>
      %dma_start3A_42 = tpu.memref_squeeze %dma_start3A_41 : memref<1x40x128xi32, #tpu.memory_space<hbm>> -> memref<40x128xi32, #tpu.memory_space<hbm>>
      %dma_start3A_43 = arith.constant 0 : i32
      %dma_start3A_44 = tpu.memref_slice %arg2[%run_scoped3A_25, %add3A_24, %dma_start3A_43] : memref<2x2560x128xi32, #tpu.memory_space<hbm>> -> memref<1x40x128xi32, #tpu.memory_space<hbm>>
      %dma_start3A_45 = tpu.memref_squeeze %dma_start3A_44 : memref<1x40x128xi32, #tpu.memory_space<hbm>> -> memref<40x128xi32, #tpu.memory_space<hbm>>
      tpu.enqueue_dma source(%dma_start3A_45 : memref<40x128xi32, #tpu.memory_space<hbm>>) target(%arg6 : memref<40x128xi32, #tpu.memory_space<vmem>>) target_semaphore(%run_scoped3A_39 : memref<!tpu.dma_semaphore, #tpu.memory_space<semaphore_mem>>)
      %dma_wait3A = arith.constant 0 : i32
      %dma_wait3A_46 = tpu.memref_slice %arg2[%run_scoped3A_25, %add3A_24, %dma_wait3A] : memref<2x2560x128xi32, #tpu.memory_space<hbm>> -> memref<1x40x128xi32, #tpu.memory_space<hbm>>
      %dma_wait3A_47 = tpu.memref_squeeze %dma_wait3A_46 : memref<1x40x128xi32, #tpu.memory_space<hbm>> -> memref<40x128xi32, #tpu.memory_space<hbm>>
      %dma_wait3A_48 = arith.constant 0 : i32
      %dma_wait3A_49 = tpu.memref_slice %arg2[%run_scoped3A_25, %add3A_24, %dma_wait3A_48] : memref<2x2560x128xi32, #tpu.memory_space<hbm>> -> memref<1x40x128xi32, #tpu.memory_space<hbm>>
      %dma_wait3A_50 = tpu.memref_squeeze %dma_wait3A_49 : memref<1x40x128xi32, #tpu.memory_space<hbm>> -> memref<40x128xi32, #tpu.memory_space<hbm>>
      tpu.wait_dma2 semaphore(%run_scoped3A_39 : memref<!tpu.dma_semaphore, #tpu.memory_space<semaphore_mem>>) src(%dma_wait3A_50 : memref<40x128xi32, #tpu.memory_space<hbm>>) dst(%arg6 : memref<40x128xi32, #tpu.memory_space<vmem>>)
      tpu.yield
    }) : () -> ()
    %dma_start3A_26 = arith.constant 0 : i32
    %dma_start3A_27 = arith.constant 0 : i32
    %dma_start3A_28 = tpu.memref_slice %arg5[%dma_start3A_26, %dma_start3A_27] : memref<40x128xi32, #tpu.memory_space<vmem>> -> memref<1x128xi32, #tpu.memory_space<vmem>>
    %dma_start3A_29 = tpu.memref_squeeze %dma_start3A_28 : memref<1x128xi32, #tpu.memory_space<vmem>> -> memref<128xi32, #tpu.memory_space<vmem>>
    %dma_start3A_30 = arith.constant 0 : i32
    %dma_start3A_31 = arith.constant 0 : i32
    %dma_start3A_32 = tpu.memref_slice %arg3[%dma_start3A_30, %dma_start3A_31] : memref<10240x128xf32, #tpu.memory_space<hbm>> -> memref<10240x128xf32, #tpu.memory_space<hbm>>
    tpu.enqueue_indirect_dma source(%dma_start3A_32 : memref<10240x128xf32, #tpu.memory_space<hbm>>) target(%arg7 : memref<128x128xf32, #tpu.memory_space<vmem>>) offsets(%dma_start3A_29 : memref<128xi32, #tpu.memory_space<vmem>>) semaphore(%arg10 : memref<!tpu.dma_semaphore, #tpu.memory_space<semaphore_mem>>)
    %scan3A_33 = arith.constant 0 : i32
    %scan3A_34 = arith.constant 20 : i32
    %scan3A_35 = arith.addi %scan3A_33, %scan3A_34 : i32
    %scan3A_36 = arith.constant 1 : i32
    scf.for %scan3A_39 = %scan3A_33 to %scan3A_35 step %scan3A_36  : i32 {
      %mul3A_40 = arith.constant 2 : i32
      %mul3A_41 = arith.muli %scan3A_39, %mul3A_40 : i32
      %add3A_42 = arith.constant 0 : i32
      %add3A_43 = arith.addi %add3A_42, %mul3A_41 : i32
      %add3A_44 = arith.constant 1 : i32
      %add3A_45 = arith.addi %add3A_43, %add3A_44 : i32
      %dma_start3A_46 = arith.constant 0 : i32
      %dma_start3A_47 = tpu.memref_slice %arg5[%add3A_45, %dma_start3A_46] : memref<40x128xi32, #tpu.memory_space<vmem>> -> memref<1x128xi32, #tpu.memory_space<vmem>>
      %dma_start3A_48 = tpu.memref_squeeze %dma_start3A_47 : memref<1x128xi32, #tpu.memory_space<vmem>> -> memref<128xi32, #tpu.memory_space<vmem>>
      %dma_start3A_49 = arith.constant 0 : i32
      %dma_start3A_50 = arith.constant 0 : i32
      %dma_start3A_51 = tpu.memref_slice %arg3[%dma_start3A_49, %dma_start3A_50] : memref<10240x128xf32, #tpu.memory_space<hbm>> -> memref<10240x128xf32, #tpu.memory_space<hbm>>
      tpu.enqueue_indirect_dma source(%dma_start3A_51 : memref<10240x128xf32, #tpu.memory_space<hbm>>) target(%arg8 : memref<128x128xf32, #tpu.memory_space<vmem>>) offsets(%dma_start3A_48 : memref<128xi32, #tpu.memory_space<vmem>>) semaphore(%arg11 : memref<!tpu.dma_semaphore, #tpu.memory_space<semaphore_mem>>)
      %dma_wait3A = arith.constant 0 : i32
      %dma_wait3A_52 = tpu.memref_slice %arg5[%add3A_43, %dma_wait3A] : memref<40x128xi32, #tpu.memory_space<vmem>> -> memref<1x128xi32, #tpu.memory_space<vmem>>
      %dma_wait3A_53 = tpu.memref_squeeze %dma_wait3A_52 : memref<1x128xi32, #tpu.memory_space<vmem>> -> memref<128xi32, #tpu.memory_space<vmem>>
      %dma_wait3A_54 = arith.constant 0 : i32
      %dma_wait3A_55 = arith.constant 0 : i32
      %dma_wait3A_56 = tpu.memref_slice %arg3[%dma_wait3A_54, %dma_wait3A_55] : memref<10240x128xf32, #tpu.memory_space<hbm>> -> memref<10240x128xf32, #tpu.memory_space<hbm>>
      tpu.wait_indirect_dma semaphore(%arg10 : memref<!tpu.dma_semaphore, #tpu.memory_space<semaphore_mem>>) src(%dma_wait3A_56 : memref<10240x128xf32, #tpu.memory_space<hbm>>) dst(%arg7 : memref<128x128xf32, #tpu.memory_space<vmem>>)
      "tpu.region"() ({
        %run_scoped3A_71 = tpu.sem_alloc : memref<!tpu.dma_semaphore, #tpu.memory_space<semaphore_mem>>
        %dma_start3A_72 = arith.constant 0 : i32
        %dma_start3A_73 = tpu.memref_slice %arg6[%add3A_43, %dma_start3A_72] : memref<40x128xi32, #tpu.memory_space<vmem>> -> memref<1x128xi32, #tpu.memory_space<vmem>>
        %dma_start3A_74 = tpu.memref_squeeze %dma_start3A_73 : memref<1x128xi32, #tpu.memory_space<vmem>> -> memref<128xi32, #tpu.memory_space<vmem>>
        %dma_start3A_75 = arith.constant 0 : i32
        %dma_start3A_76 = arith.constant 0 : i32
        %dma_start3A_77 = tpu.memref_slice %arg9[%dma_start3A_75, %dma_start3A_76] : memref<10240x128xf32, #tpu.memory_space<vmem_shared>> -> memref<10240x128xf32, #tpu.memory_space<vmem_shared>>
        tpu.enqueue_indirect_dma source(%arg7 : memref<128x128xf32, #tpu.memory_space<vmem>>) target(%dma_start3A_77 : memref<10240x128xf32, #tpu.memory_space<vmem_shared>>) offsets(%dma_start3A_74 : memref<128xi32, #tpu.memory_space<vmem>>) semaphore(%run_scoped3A_71 : memref<!tpu.dma_semaphore, #tpu.memory_space<semaphore_mem>>) {add = true}
        %dma_wait3A_78 = arith.constant 0 : i32
        %dma_wait3A_79 = tpu.memref_slice %arg6[%add3A_43, %dma_wait3A_78] : memref<40x128xi32, #tpu.memory_space<vmem>> -> memref<1x128xi32, #tpu.memory_space<vmem>>
        %dma_wait3A_80 = tpu.memref_squeeze %dma_wait3A_79 : memref<1x128xi32, #tpu.memory_space<vmem>> -> memref<128xi32, #tpu.memory_space<vmem>>
        %dma_wait3A_81 = arith.constant 0 : i32
        %dma_wait3A_82 = arith.constant 0 : i32
        %dma_wait3A_83 = tpu.memref_slice %arg9[%dma_wait3A_81, %dma_wait3A_82] : memref<10240x128xf32, #tpu.memory_space<vmem_shared>> -> memref<10240x128xf32, #tpu.memory_space<vmem_shared>>
        tpu.wait_indirect_dma semaphore(%run_scoped3A_71 : memref<!tpu.dma_semaphore, #tpu.memory_space<semaphore_mem>>) src(%arg7 : memref<128x128xf32, #tpu.memory_space<vmem>>) dst(%dma_wait3A_83 : memref<10240x128xf32, #tpu.memory_space<vmem_shared>>)
        tpu.yield
      }) : () -> ()
      %add3A_57 = arith.constant 2 : i32
      %add3A_58 = arith.addi %add3A_43, %add3A_57 : i32
      %lt3A = arith.constant 40 : i32
      %lt3A_59 = arith.cmpi slt, %add3A_58, %lt3A : i32
      %convert_element_type3A = arith.extui %lt3A_59 : i1 to i32
      %cond3A = arith.constant 0 : i32
      %cond3A_60 = arith.cmpi ne, %convert_element_type3A, %cond3A : i32
      scf.if %cond3A_60 {
        %add3A_71 = arith.constant 2 : i32
        %add3A_72 = arith.addi %add3A_43, %add3A_71 : i32
        %dma_start3A_73 = arith.constant 0 : i32
        %dma_start3A_74 = tpu.memref_slice %arg5[%add3A_72, %dma_start3A_73] : memref<40x128xi32, #tpu.memory_space<vmem>> -> memref<1x128xi32, #tpu.memory_space<vmem>>
        %dma_start3A_75 = tpu.memref_squeeze %dma_start3A_74 : memref<1x128xi32, #tpu.memory_space<vmem>> -> memref<128xi32, #tpu.memory_space<vmem>>
        %dma_start3A_76 = arith.constant 0 : i32
        %dma_start3A_77 = arith.constant 0 : i32
        %dma_start3A_78 = tpu.memref_slice %arg3[%dma_start3A_76, %dma_start3A_77] : memref<10240x128xf32, #tpu.memory_space<hbm>> -> memref<10240x128xf32, #tpu.memory_space<hbm>>
        tpu.enqueue_indirect_dma source(%dma_start3A_78 : memref<10240x128xf32, #tpu.memory_space<hbm>>) target(%arg7 : memref<128x128xf32, #tpu.memory_space<vmem>>) offsets(%dma_start3A_75 : memref<128xi32, #tpu.memory_space<vmem>>) semaphore(%arg10 : memref<!tpu.dma_semaphore, #tpu.memory_space<semaphore_mem>>)
      } else {
      }
      %add3A_61 = arith.constant 1 : i32
      %add3A_62 = arith.addi %add3A_43, %add3A_61 : i32
      %dma_wait3A_63 = arith.constant 0 : i32
      %dma_wait3A_64 = tpu.memref_slice %arg5[%add3A_62, %dma_wait3A_63] : memref<40x128xi32, #tpu.memory_space<vmem>> -> memref<1x128xi32, #tpu.memory_space<vmem>>
      %dma_wait3A_65 = tpu.memref_squeeze %dma_wait3A_64 : memref<1x128xi32, #tpu.memory_space<vmem>> -> memref<128xi32, #tpu.memory_space<vmem>>
      %dma_wait3A_66 = arith.constant 0 : i32
      %dma_wait3A_67 = arith.constant 0 : i32
      %dma_wait3A_68 = tpu.memref_slice %arg3[%dma_wait3A_66, %dma_wait3A_67] : memref<10240x128xf32, #tpu.memory_space<hbm>> -> memref<10240x128xf32, #tpu.memory_space<hbm>>
      tpu.wait_indirect_dma semaphore(%arg11 : memref<!tpu.dma_semaphore, #tpu.memory_space<semaphore_mem>>) src(%dma_wait3A_68 : memref<10240x128xf32, #tpu.memory_space<hbm>>) dst(%arg8 : memref<128x128xf32, #tpu.memory_space<vmem>>)
      %add3A_69 = arith.constant 1 : i32
      %add3A_70 = arith.addi %add3A_43, %add3A_69 : i32
      "tpu.region"() ({
        %run_scoped3A_71 = tpu.sem_alloc : memref<!tpu.dma_semaphore, #tpu.memory_space<semaphore_mem>>
        %dma_start3A_72 = arith.constant 0 : i32
        %dma_start3A_73 = tpu.memref_slice %arg6[%add3A_70, %dma_start3A_72] : memref<40x128xi32, #tpu.memory_space<vmem>> -> memref<1x128xi32, #tpu.memory_space<vmem>>
        %dma_start3A_74 = tpu.memref_squeeze %dma_start3A_73 : memref<1x128xi32, #tpu.memory_space<vmem>> -> memref<128xi32, #tpu.memory_space<vmem>>
        %dma_start3A_75 = arith.constant 0 : i32
        %dma_start3A_76 = arith.constant 0 : i32
        %dma_start3A_77 = tpu.memref_slice %arg9[%dma_start3A_75, %dma_start3A_76] : memref<10240x128xf32, #tpu.memory_space<vmem_shared>> -> memref<10240x128xf32, #tpu.memory_space<vmem_shared>>
        tpu.enqueue_indirect_dma source(%arg8 : memref<128x128xf32, #tpu.memory_space<vmem>>) target(%dma_start3A_77 : memref<10240x128xf32, #tpu.memory_space<vmem_shared>>) offsets(%dma_start3A_74 : memref<128xi32, #tpu.memory_space<vmem>>) semaphore(%run_scoped3A_71 : memref<!tpu.dma_semaphore, #tpu.memory_space<semaphore_mem>>) {add = true}
        %dma_wait3A_78 = arith.constant 0 : i32
        %dma_wait3A_79 = tpu.memref_slice %arg6[%add3A_70, %dma_wait3A_78] : memref<40x128xi32, #tpu.memory_space<vmem>> -> memref<1x128xi32, #tpu.memory_space<vmem>>
        %dma_wait3A_80 = tpu.memref_squeeze %dma_wait3A_79 : memref<1x128xi32, #tpu.memory_space<vmem>> -> memref<128xi32, #tpu.memory_space<vmem>>
        %dma_wait3A_81 = arith.constant 0 : i32
        %dma_wait3A_82 = arith.constant 0 : i32
        %dma_wait3A_83 = tpu.memref_slice %arg9[%dma_wait3A_81, %dma_wait3A_82] : memref<10240x128xf32, #tpu.memory_space<vmem_shared>> -> memref<10240x128xf32, #tpu.memory_space<vmem_shared>>
        tpu.wait_indirect_dma semaphore(%run_scoped3A_71 : memref<!tpu.dma_semaphore, #tpu.memory_space<semaphore_mem>>) src(%arg8 : memref<128x128xf32, #tpu.memory_space<vmem>>) dst(%dma_wait3A_83 : memref<10240x128xf32, #tpu.memory_space<vmem_shared>>)
        tpu.yield
      }) : () -> ()
    }
    %scan3A_37 = arith.constant 20 : i32
    %barrier3A_38 = arith.constant 0 : index
    tpu.barrier barrier_id(%barrier3A_38)
    "tpu.region"() ({
      %run_scoped3A_39 = tpu.sem_alloc : memref<!tpu.dma_semaphore, #tpu.memory_space<semaphore_mem>>
      %dma_start3A_40 = arith.constant 0 : i32
      %dma_start3A_41 = tpu.memref_slice %arg4[%arg0, %mul3A_0, %dma_start3A_40] : memref<2x10240x128xf32, #tpu.memory_space<hbm>> -> memref<1x640x128xf32, #tpu.memory_space<hbm>>
      %dma_start3A_42 = tpu.memref_squeeze %dma_start3A_41 : memref<1x640x128xf32, #tpu.memory_space<hbm>> -> memref<640x128xf32, #tpu.memory_space<hbm>>
      %dma_start3A_43 = arith.constant 0 : i32
      %dma_start3A_44 = tpu.memref_slice %arg9[%mul3A_0, %dma_start3A_43] : memref<10240x128xf32, #tpu.memory_space<vmem_shared>> -> memref<640x128xf32, #tpu.memory_space<vmem_shared>>
      tpu.enqueue_dma source(%dma_start3A_44 : memref<640x128xf32, #tpu.memory_space<vmem_shared>>) target(%dma_start3A_42 : memref<640x128xf32, #tpu.memory_space<hbm>>) target_semaphore(%run_scoped3A_39 : memref<!tpu.dma_semaphore, #tpu.memory_space<semaphore_mem>>)
      %dma_wait3A = arith.constant 0 : i32
      %dma_wait3A_45 = tpu.memref_slice %arg4[%arg0, %mul3A_0, %dma_wait3A] : memref<2x10240x128xf32, #tpu.memory_space<hbm>> -> memref<1x640x128xf32, #tpu.memory_space<hbm>>
      %dma_wait3A_46 = tpu.memref_squeeze %dma_wait3A_45 : memref<1x640x128xf32, #tpu.memory_space<hbm>> -> memref<640x128xf32, #tpu.memory_space<hbm>>
      %dma_wait3A_47 = arith.constant 0 : i32
      %dma_wait3A_48 = tpu.memref_slice %arg9[%mul3A_0, %dma_wait3A_47] : memref<10240x128xf32, #tpu.memory_space<vmem_shared>> -> memref<640x128xf32, #tpu.memory_space<vmem_shared>>
      tpu.wait_dma2 semaphore(%run_scoped3A_39 : memref<!tpu.dma_semaphore, #tpu.memory_space<semaphore_mem>>) src(%dma_wait3A_48 : memref<640x128xf32, #tpu.memory_space<vmem_shared>>) dst(%dma_wait3A_46 : memref<640x128xf32, #tpu.memory_space<hbm>>)
      tpu.yield
    }) : () -> ()
    return
  }
}

#map = affine_map<(d0, d1) -> (0, 0, 0)>
#map1 = affine_map<(d0, d1) -> (0, 0)>
module attributes {stable_mosaic.version = 14 : i64} {
  func.func @_sc_deg_body(%arg0: i32, %arg1: i32, %arg2: memref<2x2560x128xi32, #tpu.memory_space<hbm>>, %arg3: memref<128x128xf32, #tpu.memory_space<hbm>>, %arg4: memref<2x10240x128xf32, #tpu.memory_space<hbm>>, %arg5: memref<80x128xi32, #tpu.memory_space<vmem>>, %arg6: memref<128x128xf32, #tpu.memory_space<vmem>>, %arg7: memref<10240x128xf32, #tpu.memory_space<vmem_shared>>, %arg8: memref<!tpu.dma_semaphore, #tpu.memory_space<semaphore_mem>>, %arg9: memref<!tpu.dma_semaphore, #tpu.memory_space<semaphore_mem>>) attributes {dimension_semantics = [#tpu.dimension_semantics<core_parallel>, #tpu.dimension_semantics<subcore_parallel>], iteration_bounds = array<i64: 2, 16>, scalar_prefetch = 0 : i64, scratch_operands = 5 : i64, tpu.core_type = #tpu.core_type<sc_vector_subcore>, window_params = [{transform_indices = #map}, {transform_indices = #map1}, {transform_indices = #map}]} {
    %mul3A = arith.constant 640 : i32
    %mul3A_0 = arith.muli %arg1, %mul3A : i32
    "tpu.region"() ({
      %run_scoped3A_28 = tpu.sem_alloc : memref<!tpu.dma_semaphore, #tpu.memory_space<semaphore_mem>>
      tpu.enqueue_dma source(%arg3 : memref<128x128xf32, #tpu.memory_space<hbm>>) target(%arg6 : memref<128x128xf32, #tpu.memory_space<vmem>>) target_semaphore(%run_scoped3A_28 : memref<!tpu.dma_semaphore, #tpu.memory_space<semaphore_mem>>)
      tpu.wait_dma2 semaphore(%run_scoped3A_28 : memref<!tpu.dma_semaphore, #tpu.memory_space<semaphore_mem>>) src(%arg3 : memref<128x128xf32, #tpu.memory_space<hbm>>) dst(%arg6 : memref<128x128xf32, #tpu.memory_space<vmem>>)
      tpu.yield
    }) : () -> ()
    %scan3A = arith.constant 0 : i32
    %scan3A_1 = arith.constant 5 : i32
    %scan3A_2 = arith.addi %scan3A, %scan3A_1 : i32
    %scan3A_3 = arith.constant 1 : i32
    scf.for %scan3A_28 = %scan3A to %scan3A_2 step %scan3A_3  : i32 {
      %mul3A_29 = arith.constant 1 : i32
      %mul3A_30 = arith.muli %scan3A_28, %mul3A_29 : i32
      %add3A_31 = arith.constant 0 : i32
      %add3A_32 = arith.addi %add3A_31, %mul3A_30 : i32
      %mul3A_33 = arith.constant 128 : i32
      %mul3A_34 = arith.muli %add3A_32, %mul3A_33 : i32
      %add3A_35 = arith.addi %mul3A_0, %mul3A_34 : i32
      "tpu.region"() ({
        %run_scoped3A_36 = tpu.sem_alloc : memref<!tpu.dma_semaphore, #tpu.memory_space<semaphore_mem>>
        %dma_start3A_37 = arith.constant 0 : i32
        %dma_start3A_38 = tpu.memref_slice %arg7[%add3A_35, %dma_start3A_37] : memref<10240x128xf32, #tpu.memory_space<vmem_shared>> -> memref<128x128xf32, #tpu.memory_space<vmem_shared>>
        %dma_start3A_39 = arith.constant 0 : i32
        %dma_start3A_40 = tpu.memref_slice %arg7[%add3A_35, %dma_start3A_39] : memref<10240x128xf32, #tpu.memory_space<vmem_shared>> -> memref<128x128xf32, #tpu.memory_space<vmem_shared>>
        tpu.enqueue_dma source(%arg6 : memref<128x128xf32, #tpu.memory_space<vmem>>) target(%dma_start3A_40 : memref<128x128xf32, #tpu.memory_space<vmem_shared>>) target_semaphore(%run_scoped3A_36 : memref<!tpu.dma_semaphore, #tpu.memory_space<semaphore_mem>>)
        %dma_wait3A = arith.constant 0 : i32
        %dma_wait3A_41 = tpu.memref_slice %arg7[%add3A_35, %dma_wait3A] : memref<10240x128xf32, #tpu.memory_space<vmem_shared>> -> memref<128x128xf32, #tpu.memory_space<vmem_shared>>
        %dma_wait3A_42 = arith.constant 0 : i32
        %dma_wait3A_43 = tpu.memref_slice %arg7[%add3A_35, %dma_wait3A_42] : memref<10240x128xf32, #tpu.memory_space<vmem_shared>> -> memref<128x128xf32, #tpu.memory_space<vmem_shared>>
        tpu.wait_dma2 semaphore(%run_scoped3A_36 : memref<!tpu.dma_semaphore, #tpu.memory_space<semaphore_mem>>) src(%arg6 : memref<128x128xf32, #tpu.memory_space<vmem>>) dst(%dma_wait3A_43 : memref<128x128xf32, #tpu.memory_space<vmem_shared>>)
        tpu.yield
      }) : () -> ()
    }
    %scan3A_4 = arith.constant 5 : i32
    %mul3A_5 = arith.constant 16 : i32
    %mul3A_6 = arith.muli %arg0, %mul3A_5 : i32
    %add3A = arith.addi %mul3A_6, %arg1 : i32
    %mul3A_7 = arith.constant 80 : i32
    %mul3A_8 = arith.muli %add3A, %mul3A_7 : i32
    %run_scoped3A = arith.constant 1 : i32
    "tpu.region"() ({
      %run_scoped3A_28 = tpu.sem_alloc : memref<!tpu.dma_semaphore, #tpu.memory_space<semaphore_mem>>
      %dma_start3A_29 = arith.constant 0 : i32
      %dma_start3A_30 = tpu.memref_slice %arg2[%run_scoped3A, %mul3A_8, %dma_start3A_29] : memref<2x2560x128xi32, #tpu.memory_space<hbm>> -> memref<1x80x128xi32, #tpu.memory_space<hbm>>
      %dma_start3A_31 = tpu.memref_squeeze %dma_start3A_30 : memref<1x80x128xi32, #tpu.memory_space<hbm>> -> memref<80x128xi32, #tpu.memory_space<hbm>>
      %dma_start3A_32 = arith.constant 0 : i32
      %dma_start3A_33 = tpu.memref_slice %arg2[%run_scoped3A, %mul3A_8, %dma_start3A_32] : memref<2x2560x128xi32, #tpu.memory_space<hbm>> -> memref<1x80x128xi32, #tpu.memory_space<hbm>>
      %dma_start3A_34 = tpu.memref_squeeze %dma_start3A_33 : memref<1x80x128xi32, #tpu.memory_space<hbm>> -> memref<80x128xi32, #tpu.memory_space<hbm>>
      tpu.enqueue_dma source(%dma_start3A_34 : memref<80x128xi32, #tpu.memory_space<hbm>>) target(%arg5 : memref<80x128xi32, #tpu.memory_space<vmem>>) target_semaphore(%run_scoped3A_28 : memref<!tpu.dma_semaphore, #tpu.memory_space<semaphore_mem>>)
      %dma_wait3A = arith.constant 0 : i32
      %dma_wait3A_35 = tpu.memref_slice %arg2[%run_scoped3A, %mul3A_8, %dma_wait3A] : memref<2x2560x128xi32, #tpu.memory_space<hbm>> -> memref<1x80x128xi32, #tpu.memory_space<hbm>>
      %dma_wait3A_36 = tpu.memref_squeeze %dma_wait3A_35 : memref<1x80x128xi32, #tpu.memory_space<hbm>> -> memref<80x128xi32, #tpu.memory_space<hbm>>
      %dma_wait3A_37 = arith.constant 0 : i32
      %dma_wait3A_38 = tpu.memref_slice %arg2[%run_scoped3A, %mul3A_8, %dma_wait3A_37] : memref<2x2560x128xi32, #tpu.memory_space<hbm>> -> memref<1x80x128xi32, #tpu.memory_space<hbm>>
      %dma_wait3A_39 = tpu.memref_squeeze %dma_wait3A_38 : memref<1x80x128xi32, #tpu.memory_space<hbm>> -> memref<80x128xi32, #tpu.memory_space<hbm>>
      tpu.wait_dma2 semaphore(%run_scoped3A_28 : memref<!tpu.dma_semaphore, #tpu.memory_space<semaphore_mem>>) src(%dma_wait3A_39 : memref<80x128xi32, #tpu.memory_space<hbm>>) dst(%arg5 : memref<80x128xi32, #tpu.memory_space<vmem>>)
      tpu.yield
    }) : () -> ()
    %barrier3A = arith.constant 0 : index
    tpu.barrier barrier_id(%barrier3A)
    %dma_start3A = arith.constant 0 : i32
    %dma_start3A_9 = arith.constant 0 : i32
    %dma_start3A_10 = tpu.memref_slice %arg5[%dma_start3A, %dma_start3A_9] : memref<80x128xi32, #tpu.memory_space<vmem>> -> memref<1x128xi32, #tpu.memory_space<vmem>>
    %dma_start3A_11 = tpu.memref_squeeze %dma_start3A_10 : memref<1x128xi32, #tpu.memory_space<vmem>> -> memref<128xi32, #tpu.memory_space<vmem>>
    %dma_start3A_12 = arith.constant 0 : i32
    %dma_start3A_13 = arith.constant 0 : i32
    %dma_start3A_14 = tpu.memref_slice %arg7[%dma_start3A_12, %dma_start3A_13] : memref<10240x128xf32, #tpu.memory_space<vmem_shared>> -> memref<10240x128xf32, #tpu.memory_space<vmem_shared>>
    tpu.enqueue_indirect_dma source(%arg6 : memref<128x128xf32, #tpu.memory_space<vmem>>) target(%dma_start3A_14 : memref<10240x128xf32, #tpu.memory_space<vmem_shared>>) offsets(%dma_start3A_11 : memref<128xi32, #tpu.memory_space<vmem>>) semaphore(%arg8 : memref<!tpu.dma_semaphore, #tpu.memory_space<semaphore_mem>>) {add = true}
    %dma_start3A_15 = arith.constant 1 : i32
    %dma_start3A_16 = arith.constant 0 : i32
    %dma_start3A_17 = tpu.memref_slice %arg5[%dma_start3A_15, %dma_start3A_16] : memref<80x128xi32, #tpu.memory_space<vmem>> -> memref<1x128xi32, #tpu.memory_space<vmem>>
    %dma_start3A_18 = tpu.memref_squeeze %dma_start3A_17 : memref<1x128xi32, #tpu.memory_space<vmem>> -> memref<128xi32, #tpu.memory_space<vmem>>
    %dma_start3A_19 = arith.constant 0 : i32
    %dma_start3A_20 = arith.constant 0 : i32
    %dma_start3A_21 = tpu.memref_slice %arg7[%dma_start3A_19, %dma_start3A_20] : memref<10240x128xf32, #tpu.memory_space<vmem_shared>> -> memref<10240x128xf32, #tpu.memory_space<vmem_shared>>
    tpu.enqueue_indirect_dma source(%arg6 : memref<128x128xf32, #tpu.memory_space<vmem>>) target(%dma_start3A_21 : memref<10240x128xf32, #tpu.memory_space<vmem_shared>>) offsets(%dma_start3A_18 : memref<128xi32, #tpu.memory_space<vmem>>) semaphore(%arg9 : memref<!tpu.dma_semaphore, #tpu.memory_space<semaphore_mem>>) {add = true}
    %scan3A_22 = arith.constant 0 : i32
    %scan3A_23 = arith.constant 40 : i32
    %scan3A_24 = arith.addi %scan3A_22, %scan3A_23 : i32
    %scan3A_25 = arith.constant 1 : i32
    scf.for %scan3A_28 = %scan3A_22 to %scan3A_24 step %scan3A_25  : i32 {
      %mul3A_29 = arith.constant 2 : i32
      %mul3A_30 = arith.muli %scan3A_28, %mul3A_29 : i32
      %add3A_31 = arith.constant 0 : i32
      %add3A_32 = arith.addi %add3A_31, %mul3A_30 : i32
      %dma_wait3A = arith.constant 0 : i32
      %dma_wait3A_33 = tpu.memref_slice %arg5[%add3A_32, %dma_wait3A] : memref<80x128xi32, #tpu.memory_space<vmem>> -> memref<1x128xi32, #tpu.memory_space<vmem>>
      %dma_wait3A_34 = tpu.memref_squeeze %dma_wait3A_33 : memref<1x128xi32, #tpu.memory_space<vmem>> -> memref<128xi32, #tpu.memory_space<vmem>>
      %dma_wait3A_35 = arith.constant 0 : i32
      %dma_wait3A_36 = arith.constant 0 : i32
      %dma_wait3A_37 = tpu.memref_slice %arg7[%dma_wait3A_35, %dma_wait3A_36] : memref<10240x128xf32, #tpu.memory_space<vmem_shared>> -> memref<10240x128xf32, #tpu.memory_space<vmem_shared>>
      tpu.wait_indirect_dma semaphore(%arg8 : memref<!tpu.dma_semaphore, #tpu.memory_space<semaphore_mem>>) src(%arg6 : memref<128x128xf32, #tpu.memory_space<vmem>>) dst(%dma_wait3A_37 : memref<10240x128xf32, #tpu.memory_space<vmem_shared>>)
      %add3A_38 = arith.constant 2 : i32
      %add3A_39 = arith.addi %add3A_32, %add3A_38 : i32
      %lt3A = arith.constant 80 : i32
      %lt3A_40 = arith.cmpi slt, %add3A_39, %lt3A : i32
      %convert_element_type3A = arith.extui %lt3A_40 : i1 to i32
      %cond3A = arith.constant 0 : i32
      %cond3A_41 = arith.cmpi ne, %convert_element_type3A, %cond3A : i32
      scf.if %cond3A_41 {
        %add3A_57 = arith.constant 2 : i32
        %add3A_58 = arith.addi %add3A_32, %add3A_57 : i32
        %dma_start3A_59 = arith.constant 0 : i32
        %dma_start3A_60 = tpu.memref_slice %arg5[%add3A_58, %dma_start3A_59] : memref<80x128xi32, #tpu.memory_space<vmem>> -> memref<1x128xi32, #tpu.memory_space<vmem>>
        %dma_start3A_61 = tpu.memref_squeeze %dma_start3A_60 : memref<1x128xi32, #tpu.memory_space<vmem>> -> memref<128xi32, #tpu.memory_space<vmem>>
        %dma_start3A_62 = arith.constant 0 : i32
        %dma_start3A_63 = arith.constant 0 : i32
        %dma_start3A_64 = tpu.memref_slice %arg7[%dma_start3A_62, %dma_start3A_63] : memref<10240x128xf32, #tpu.memory_space<vmem_shared>> -> memref<10240x128xf32, #tpu.memory_space<vmem_shared>>
        tpu.enqueue_indirect_dma source(%arg6 : memref<128x128xf32, #tpu.memory_space<vmem>>) target(%dma_start3A_64 : memref<10240x128xf32, #tpu.memory_space<vmem_shared>>) offsets(%dma_start3A_61 : memref<128xi32, #tpu.memory_space<vmem>>) semaphore(%arg8 : memref<!tpu.dma_semaphore, #tpu.memory_space<semaphore_mem>>) {add = true}
      } else {
      }
      %add3A_42 = arith.constant 1 : i32
      %add3A_43 = arith.addi %add3A_32, %add3A_42 : i32
      %dma_wait3A_44 = arith.constant 0 : i32
      %dma_wait3A_45 = tpu.memref_slice %arg5[%add3A_43, %dma_wait3A_44] : memref<80x128xi32, #tpu.memory_space<vmem>> -> memref<1x128xi32, #tpu.memory_space<vmem>>
      %dma_wait3A_46 = tpu.memref_squeeze %dma_wait3A_45 : memref<1x128xi32, #tpu.memory_space<vmem>> -> memref<128xi32, #tpu.memory_space<vmem>>
      %dma_wait3A_47 = arith.constant 0 : i32
      %dma_wait3A_48 = arith.constant 0 : i32
      %dma_wait3A_49 = tpu.memref_slice %arg7[%dma_wait3A_47, %dma_wait3A_48] : memref<10240x128xf32, #tpu.memory_space<vmem_shared>> -> memref<10240x128xf32, #tpu.memory_space<vmem_shared>>
      tpu.wait_indirect_dma semaphore(%arg9 : memref<!tpu.dma_semaphore, #tpu.memory_space<semaphore_mem>>) src(%arg6 : memref<128x128xf32, #tpu.memory_space<vmem>>) dst(%dma_wait3A_49 : memref<10240x128xf32, #tpu.memory_space<vmem_shared>>)
      %add3A_50 = arith.constant 3 : i32
      %add3A_51 = arith.addi %add3A_32, %add3A_50 : i32
      %lt3A_52 = arith.constant 80 : i32
      %lt3A_53 = arith.cmpi slt, %add3A_51, %lt3A_52 : i32
      %convert_element_type3A_54 = arith.extui %lt3A_53 : i1 to i32
      %cond3A_55 = arith.constant 0 : i32
      %cond3A_56 = arith.cmpi ne, %convert_element_type3A_54, %cond3A_55 : i32
      scf.if %cond3A_56 {
        %add3A_57 = arith.constant 3 : i32
        %add3A_58 = arith.addi %add3A_32, %add3A_57 : i32
        %dma_start3A_59 = arith.constant 0 : i32
        %dma_start3A_60 = tpu.memref_slice %arg5[%add3A_58, %dma_start3A_59] : memref<80x128xi32, #tpu.memory_space<vmem>> -> memref<1x128xi32, #tpu.memory_space<vmem>>
        %dma_start3A_61 = tpu.memref_squeeze %dma_start3A_60 : memref<1x128xi32, #tpu.memory_space<vmem>> -> memref<128xi32, #tpu.memory_space<vmem>>
        %dma_start3A_62 = arith.constant 0 : i32
        %dma_start3A_63 = arith.constant 0 : i32
        %dma_start3A_64 = tpu.memref_slice %arg7[%dma_start3A_62, %dma_start3A_63] : memref<10240x128xf32, #tpu.memory_space<vmem_shared>> -> memref<10240x128xf32, #tpu.memory_space<vmem_shared>>
        tpu.enqueue_indirect_dma source(%arg6 : memref<128x128xf32, #tpu.memory_space<vmem>>) target(%dma_start3A_64 : memref<10240x128xf32, #tpu.memory_space<vmem_shared>>) offsets(%dma_start3A_61 : memref<128xi32, #tpu.memory_space<vmem>>) semaphore(%arg9 : memref<!tpu.dma_semaphore, #tpu.memory_space<semaphore_mem>>) {add = true}
      } else {
      }
    }
    %scan3A_26 = arith.constant 40 : i32
    %barrier3A_27 = arith.constant 0 : index
    tpu.barrier barrier_id(%barrier3A_27)
    "tpu.region"() ({
      %run_scoped3A_28 = tpu.sem_alloc : memref<!tpu.dma_semaphore, #tpu.memory_space<semaphore_mem>>
      %dma_start3A_29 = arith.constant 0 : i32
      %dma_start3A_30 = tpu.memref_slice %arg4[%arg0, %mul3A_0, %dma_start3A_29] : memref<2x10240x128xf32, #tpu.memory_space<hbm>> -> memref<1x640x128xf32, #tpu.memory_space<hbm>>
      %dma_start3A_31 = tpu.memref_squeeze %dma_start3A_30 : memref<1x640x128xf32, #tpu.memory_space<hbm>> -> memref<640x128xf32, #tpu.memory_space<hbm>>
      %dma_start3A_32 = arith.constant 0 : i32
      %dma_start3A_33 = tpu.memref_slice %arg7[%mul3A_0, %dma_start3A_32] : memref<10240x128xf32, #tpu.memory_space<vmem_shared>> -> memref<640x128xf32, #tpu.memory_space<vmem_shared>>
      tpu.enqueue_dma source(%dma_start3A_33 : memref<640x128xf32, #tpu.memory_space<vmem_shared>>) target(%dma_start3A_31 : memref<640x128xf32, #tpu.memory_space<hbm>>) target_semaphore(%run_scoped3A_28 : memref<!tpu.dma_semaphore, #tpu.memory_space<semaphore_mem>>)
      %dma_wait3A = arith.constant 0 : i32
      %dma_wait3A_34 = tpu.memref_slice %arg4[%arg0, %mul3A_0, %dma_wait3A] : memref<2x10240x128xf32, #tpu.memory_space<hbm>> -> memref<1x640x128xf32, #tpu.memory_space<hbm>>
      %dma_wait3A_35 = tpu.memref_squeeze %dma_wait3A_34 : memref<1x640x128xf32, #tpu.memory_space<hbm>> -> memref<640x128xf32, #tpu.memory_space<hbm>>
      %dma_wait3A_36 = arith.constant 0 : i32
      %dma_wait3A_37 = tpu.memref_slice %arg7[%mul3A_0, %dma_wait3A_36] : memref<10240x128xf32, #tpu.memory_space<vmem_shared>> -> memref<640x128xf32, #tpu.memory_space<vmem_shared>>
      tpu.wait_dma2 semaphore(%run_scoped3A_28 : memref<!tpu.dma_semaphore, #tpu.memory_space<semaphore_mem>>) src(%dma_wait3A_37 : memref<640x128xf32, #tpu.memory_space<vmem_shared>>) dst(%dma_wait3A_35 : memref<640x128xf32, #tpu.memory_space<hbm>>)
      tpu.yield
    }) : () -> ()
    return
  }
}

module attributes {stable_mosaic.version = 14 : i64} {
  func.func @_tc_mm_body(%arg0: i32, %arg1: memref<1024x128xf32, #tpu.memory_space<vmem>>, %arg2: memref<128x128xf32, #tpu.memory_space<vmem>>, %arg3: memref<1024x128xf32, #tpu.memory_space<vmem>>) attributes {dimension_semantics = [#tpu.dimension_semantics<arbitrary>], iteration_bounds = array<i64: 10>, scalar_prefetch = 0 : i64, scratch_operands = 0 : i64, tpu.core_type = #tpu.core_type<tc>, window_params = [{transform_indices = @transform_0, window_bounds = array<i64: 1024, 128>}, {pipeline_mode = #tpu.pipeline_mode<synchronous>, transform_indices = @transform_1, window_bounds = array<i64: 128, 128>}, {transform_indices = @transform_2, window_bounds = array<i64: 1024, 128>}]} {
    %get3A = arith.constant 0 : index
    %get3A_0 = arith.constant 0 : index
    %get3A_1 = vector.load %arg1[%get3A, %get3A_0] : memref<1024x128xf32, #tpu.memory_space<vmem>>, vector<1024x128xf32>
    %get3A_2 = arith.constant 0 : index
    %get3A_3 = arith.constant 0 : index
    %get3A_4 = vector.load %arg2[%get3A_2, %get3A_3] : memref<128x128xf32, #tpu.memory_space<vmem>>, vector<128x128xf32>
    %dot_general3A = arith.constant dense<0.000000e+00> : vector<1024x128xf32>
    %dot_general3A_5 = tpu.matmul %get3A_1, %get3A_4, %dot_general3A {dimension_numbers = #tpu.dot_dimension_numbers<[1], [0], [0], [1], [0, 0, 1, 1], [], []>, transpose_lhs_hint = false} : vector<1024x128xf32>, vector<128x128xf32>, vector<1024x128xf32> -> vector<1024x128xf32>
    %swap3A = arith.constant 0 : index
    %swap3A_6 = arith.constant 0 : index
    %swap3A_7 = vector.load %arg3[%swap3A, %swap3A_6] : memref<1024x128xf32, #tpu.memory_space<vmem>>, vector<1024x128xf32>
    tpu.vector_store %arg3[%swap3A, %swap3A_6], %dot_general3A_5 {strides = array<i32>} : memref<1024x128xf32, #tpu.memory_space<vmem>>, vector<1024x128xf32>,
    return
  }
  func.func @transform_0(%arg0: i32) -> (i32, i32) {
    %c0_i32 = arith.constant 0 : i32
    %c0_i32_0 = arith.constant 0 : i32
    return %arg0, %c0_i32 : i32, i32
  }
  func.func @transform_1(%arg0: i32) -> (i32, i32) {
    %c0_i32 = arith.constant 0 : i32
    %c0_i32_0 = arith.constant 0 : i32
    %c0_i32_1 = arith.constant 0 : i32
    return %c0_i32, %c0_i32_0 : i32, i32
  }
  func.func @transform_2(%arg0: i32) -> (i32, i32) {
    %c0_i32 = arith.constant 0 : i32
    %c0_i32_0 = arith.constant 0 : i32
    return %arg0, %c0_i32 : i32, i32
  }
}

module attributes {stable_mosaic.version = 14 : i64} {
  func.func @_tc_pre_body(%arg0: i32, %arg1: memref<1x1024x128xf32, #tpu.memory_space<vmem>>, %arg2: memref<1x1024x128xf32, #tpu.memory_space<vmem>>, %arg3: memref<1024x128xf32, #tpu.memory_space<vmem>>, %arg4: memref<1024x128xf32, #tpu.memory_space<vmem>>, %arg5: memref<1024x1xf32, #tpu.memory_space<vmem>>) attributes {dimension_semantics = [#tpu.dimension_semantics<arbitrary>], iteration_bounds = array<i64: 10>, scalar_prefetch = 0 : i64, scratch_operands = 0 : i64, tpu.core_type = #tpu.core_type<tc>, window_params = [{transform_indices = @transform_0, window_bounds = array<i64: 1, 1024, 128>}, {transform_indices = @transform_1, window_bounds = array<i64: 1, 1024, 128>}, {transform_indices = @transform_2, window_bounds = array<i64: 1024, 128>}, {transform_indices = @transform_3, window_bounds = array<i64: 1024, 128>}, {transform_indices = @transform_4, window_bounds = array<i64: 1024, 1>}]} {
    %get3A = arith.constant 0 : index
    %get3A_0 = arith.constant 0 : index
    %get3A_1 = arith.constant 0 : index
    %get3A_2 = vector.load %arg1[%get3A, %get3A_0, %get3A_1] : memref<1x1024x128xf32, #tpu.memory_space<vmem>>, vector<1x1024x128xf32>
    %squeeze3A = vector.shape_cast %get3A_2 : vector<1x1024x128xf32> to vector<1024x128xf32>
    %slice3A = vector.extract_strided_slice %squeeze3A {offsets = [0, 0], sizes = [1024, 1], strides = [1, 1]} : vector<1024x128xf32> to vector<1024x1xf32>
    %get3A_3 = arith.constant 0 : index
    %get3A_4 = arith.constant 0 : index
    %get3A_5 = arith.constant 0 : index
    %get3A_6 = vector.load %arg2[%get3A_3, %get3A_4, %get3A_5] : memref<1x1024x128xf32, #tpu.memory_space<vmem>>, vector<1x1024x128xf32>
    %squeeze3A_7 = vector.shape_cast %get3A_6 : vector<1x1024x128xf32> to vector<1024x128xf32>
    %slice3A_8 = vector.extract_strided_slice %squeeze3A_7 {offsets = [0, 0], sizes = [1024, 1], strides = [1, 1]} : vector<1024x128xf32> to vector<1024x1xf32>
    %add3A = arith.addf %slice3A, %slice3A_8 : vector<1024x1xf32>
    %sub3A = arith.constant 1.000000e+00 : f32
    %sub3A_9 = vector.broadcast %sub3A : f32 to vector<1024x1xf32>
    %sub3A_10 = arith.subf %add3A, %sub3A_9 : vector<1024x1xf32>
    %mul3A = arith.constant 1024 : i32
    %mul3A_11 = arith.muli %arg0, %mul3A : i32
    %iota3A = tpu.iota {dimensions = array<i32: 0>} : vector<1024x1xi32>
    %add3A_12 = vector.broadcast %mul3A_11 : i32 to vector<1024x1xi32>
    %add3A_13 = arith.addi %add3A_12, %iota3A : vector<1024x1xi32>
    %lt3A = arith.constant 10000 : i32
    %lt3A_14 = vector.broadcast %lt3A : i32 to vector<1024x1xi32>
    %lt3A_15 = arith.cmpi slt, %add3A_13, %lt3A_14 : vector<1024x1xi32>
    %max3A = arith.constant 9.99999996E-13 : f32
    %max3A_16 = vector.broadcast %max3A : f32 to vector<1024x1xf32>
    %max3A_17 = arith.maximumf %sub3A_10, %max3A_16 : vector<1024x1xf32>
    %rsqrt3A = math.rsqrt %max3A_17 : vector<1024x1xf32>
    %jit3A = arith.constant 0.000000e+00 : f32
    %broadcast_in_dim3A = vector.broadcast %jit3A : f32 to vector<1024x1xf32>
    %select_n3A = arith.select %lt3A_15, %rsqrt3A, %broadcast_in_dim3A : vector<1024x1xi1>, vector<1024x1xf32>
    %get3A_18 = arith.constant 0 : index
    %get3A_19 = arith.constant 0 : index
    %get3A_20 = vector.load %arg3[%get3A_18, %get3A_19] : memref<1024x128xf32, #tpu.memory_space<vmem>>, vector<1024x128xf32>
    %mul3A_21 = vector.broadcast %select_n3A : vector<1024x1xf32> to vector<1024x128xf32>
    %mul3A_22 = arith.mulf %get3A_20, %mul3A_21 : vector<1024x128xf32>
    %swap3A = arith.constant 0 : index
    %swap3A_23 = arith.constant 0 : index
    %swap3A_24 = vector.load %arg4[%swap3A, %swap3A_23] : memref<1024x128xf32, #tpu.memory_space<vmem>>, vector<1024x128xf32>
    tpu.vector_store %arg4[%swap3A, %swap3A_23], %mul3A_22 {strides = array<i32>} : memref<1024x128xf32, #tpu.memory_space<vmem>>, vector<1024x128xf32>,
    %swap3A_25 = arith.constant 0 : index
    %swap3A_26 = arith.constant 0 : index
    %swap3A_27 = vector.load %arg5[%swap3A_25, %swap3A_26] : memref<1024x1xf32, #tpu.memory_space<vmem>>, vector<1024x1xf32>
    tpu.vector_store %arg5[%swap3A_25, %swap3A_26], %select_n3A {strides = array<i32>} : memref<1024x1xf32, #tpu.memory_space<vmem>>, vector<1024x1xf32>,
    return
  }
  func.func @transform_0(%arg0: i32) -> (i32, i32, i32) {
    %c0_i32 = arith.constant 0 : i32
    %c0_i32_0 = arith.constant 0 : i32
    %c0_i32_1 = arith.constant 0 : i32
    return %c0_i32, %arg0, %c0_i32_0 : i32, i32, i32
  }
  func.func @transform_1(%arg0: i32) -> (i32, i32, i32) {
    %c1_i32 = arith.constant 1 : i32
    %c0_i32 = arith.constant 0 : i32
    %c0_i32_0 = arith.constant 0 : i32
    return %c1_i32, %arg0, %c0_i32 : i32, i32, i32
  }
  func.func @transform_2(%arg0: i32) -> (i32, i32) {
    %c0_i32 = arith.constant 0 : i32
    %c0_i32_0 = arith.constant 0 : i32
    return %arg0, %c0_i32 : i32, i32
  }
  func.func @transform_3(%arg0: i32) -> (i32, i32) {
    %c0_i32 = arith.constant 0 : i32
    %c0_i32_0 = arith.constant 0 : i32
    return %arg0, %c0_i32 : i32, i32
  }
  func.func @transform_4(%arg0: i32) -> (i32, i32) {
    %c0_i32 = arith.constant 0 : i32
    %c0_i32_0 = arith.constant 0 : i32
    return %arg0, %c0_i32 : i32, i32
  }
}

module attributes {stable_mosaic.version = 14 : i64} {
  func.func @_tc_mid_body(%arg0: i32, %arg1: memref<1x1024x128xf32, #tpu.memory_space<vmem>>, %arg2: memref<1x1024x128xf32, #tpu.memory_space<vmem>>, %arg3: memref<1024x128xf32, #tpu.memory_space<vmem>>, %arg4: memref<1024x1xf32, #tpu.memory_space<vmem>>, %arg5: memref<1x128xf32, #tpu.memory_space<vmem>>, %arg6: memref<128x128xf32, #tpu.memory_space<vmem>>, %arg7: memref<1024x128xf32, #tpu.memory_space<vmem>>) attributes {dimension_semantics = [#tpu.dimension_semantics<arbitrary>], iteration_bounds = array<i64: 10>, scalar_prefetch = 0 : i64, scratch_operands = 0 : i64, tpu.core_type = #tpu.core_type<tc>, window_params = [{transform_indices = @transform_0, window_bounds = array<i64: 1, 1024, 128>}, {transform_indices = @transform_1, window_bounds = array<i64: 1, 1024, 128>}, {transform_indices = @transform_2, window_bounds = array<i64: 1024, 128>}, {transform_indices = @transform_3, window_bounds = array<i64: 1024, 1>}, {pipeline_mode = #tpu.pipeline_mode<synchronous>, transform_indices = @transform_4, window_bounds = array<i64: 1, 128>}, {pipeline_mode = #tpu.pipeline_mode<synchronous>, transform_indices = @transform_5, window_bounds = array<i64: 128, 128>}, {transform_indices = @transform_6, window_bounds = array<i64: 1024, 128>}]} {
    %get3A = arith.constant 0 : index
    %get3A_0 = arith.constant 0 : index
    %get3A_1 = arith.constant 0 : index
    %get3A_2 = vector.load %arg1[%get3A, %get3A_0, %get3A_1] : memref<1x1024x128xf32, #tpu.memory_space<vmem>>, vector<1x1024x128xf32>
    %squeeze3A = vector.shape_cast %get3A_2 : vector<1x1024x128xf32> to vector<1024x128xf32>
    %get3A_3 = arith.constant 0 : index
    %get3A_4 = arith.constant 0 : index
    %get3A_5 = arith.constant 0 : index
    %get3A_6 = vector.load %arg2[%get3A_3, %get3A_4, %get3A_5] : memref<1x1024x128xf32, #tpu.memory_space<vmem>>, vector<1x1024x128xf32>
    %squeeze3A_7 = vector.shape_cast %get3A_6 : vector<1x1024x128xf32> to vector<1024x128xf32>
    %add3A = arith.addf %squeeze3A, %squeeze3A_7 : vector<1024x128xf32>
    %get3A_8 = arith.constant 0 : index
    %get3A_9 = arith.constant 0 : index
    %get3A_10 = vector.load %arg3[%get3A_8, %get3A_9] : memref<1024x128xf32, #tpu.memory_space<vmem>>, vector<1024x128xf32>
    %sub3A = arith.subf %add3A, %get3A_10 : vector<1024x128xf32>
    %get3A_11 = arith.constant 0 : index
    %get3A_12 = arith.constant 0 : index
    %get3A_13 = vector.load %arg4[%get3A_11, %get3A_12] : memref<1024x1xf32, #tpu.memory_space<vmem>>, vector<1024x1xf32>
    %mul3A = vector.broadcast %get3A_13 : vector<1024x1xf32> to vector<1024x128xf32>
    %mul3A_14 = arith.mulf %mul3A, %sub3A : vector<1024x128xf32>
    %get3A_15 = arith.constant 0 : index
    %get3A_16 = arith.constant 0 : index
    %get3A_17 = vector.load %arg5[%get3A_15, %get3A_16] : memref<1x128xf32, #tpu.memory_space<vmem>>, vector<1x128xf32>
    %add3A_18 = vector.broadcast %get3A_17 : vector<1x128xf32> to vector<1024x128xf32>
    %add3A_19 = arith.addf %mul3A_14, %add3A_18 : vector<1024x128xf32>
    %max3A = arith.constant 0.000000e+00 : f32
    %max3A_20 = vector.broadcast %max3A : f32 to vector<1024x128xf32>
    %max3A_21 = arith.maximumf %add3A_19, %max3A_20 : vector<1024x128xf32>
    %get3A_22 = arith.constant 0 : index
    %get3A_23 = arith.constant 0 : index
    %get3A_24 = vector.load %arg6[%get3A_22, %get3A_23] : memref<128x128xf32, #tpu.memory_space<vmem>>, vector<128x128xf32>
    %dot_general3A = arith.constant dense<0.000000e+00> : vector<1024x128xf32>
    %dot_general3A_25 = tpu.matmul %max3A_21, %get3A_24, %dot_general3A {dimension_numbers = #tpu.dot_dimension_numbers<[1], [0], [0], [1], [0, 0, 1, 1], [], []>, transpose_lhs_hint = false} : vector<1024x128xf32>, vector<128x128xf32>, vector<1024x128xf32> -> vector<1024x128xf32>
    %get3A_26 = arith.constant 0 : index
    %get3A_27 = arith.constant 0 : index
    %get3A_28 = vector.load %arg4[%get3A_26, %get3A_27] : memref<1024x1xf32, #tpu.memory_space<vmem>>, vector<1024x1xf32>
    %mul3A_29 = vector.broadcast %get3A_28 : vector<1024x1xf32> to vector<1024x128xf32>
    %mul3A_30 = arith.mulf %dot_general3A_25, %mul3A_29 : vector<1024x128xf32>
    %swap3A = arith.constant 0 : index
    %swap3A_31 = arith.constant 0 : index
    %swap3A_32 = vector.load %arg7[%swap3A, %swap3A_31] : memref<1024x128xf32, #tpu.memory_space<vmem>>, vector<1024x128xf32>
    tpu.vector_store %arg7[%swap3A, %swap3A_31], %mul3A_30 {strides = array<i32>} : memref<1024x128xf32, #tpu.memory_space<vmem>>, vector<1024x128xf32>,
    return
  }
  func.func @transform_0(%arg0: i32) -> (i32, i32, i32) {
    %c0_i32 = arith.constant 0 : i32
    %c0_i32_0 = arith.constant 0 : i32
    %c0_i32_1 = arith.constant 0 : i32
    return %c0_i32, %arg0, %c0_i32_0 : i32, i32, i32
  }
  func.func @transform_1(%arg0: i32) -> (i32, i32, i32) {
    %c1_i32 = arith.constant 1 : i32
    %c0_i32 = arith.constant 0 : i32
    %c0_i32_0 = arith.constant 0 : i32
    return %c1_i32, %arg0, %c0_i32 : i32, i32, i32
  }
  func.func @transform_2(%arg0: i32) -> (i32, i32) {
    %c0_i32 = arith.constant 0 : i32
    %c0_i32_0 = arith.constant 0 : i32
    return %arg0, %c0_i32 : i32, i32
  }
  func.func @transform_3(%arg0: i32) -> (i32, i32) {
    %c0_i32 = arith.constant 0 : i32
    %c0_i32_0 = arith.constant 0 : i32
    return %arg0, %c0_i32 : i32, i32
  }
  func.func @transform_4(%arg0: i32) -> (i32, i32) {
    %c0_i32 = arith.constant 0 : i32
    %c0_i32_0 = arith.constant 0 : i32
    %c0_i32_1 = arith.constant 0 : i32
    return %c0_i32, %c0_i32_0 : i32, i32
  }
  func.func @transform_5(%arg0: i32) -> (i32, i32) {
    %c0_i32 = arith.constant 0 : i32
    %c0_i32_0 = arith.constant 0 : i32
    %c0_i32_1 = arith.constant 0 : i32
    return %c0_i32, %c0_i32_0 : i32, i32
  }
  func.func @transform_6(%arg0: i32) -> (i32, i32) {
    %c0_i32 = arith.constant 0 : i32
    %c0_i32_0 = arith.constant 0 : i32
    return %arg0, %c0_i32 : i32, i32
  }
}

module attributes {stable_mosaic.version = 14 : i64} {
  func.func @_tc_post_body(%arg0: i32, %arg1: memref<1x1024x128xf32, #tpu.memory_space<vmem>>, %arg2: memref<1x1024x128xf32, #tpu.memory_space<vmem>>, %arg3: memref<1024x128xf32, #tpu.memory_space<vmem>>, %arg4: memref<1024x1xf32, #tpu.memory_space<vmem>>, %arg5: memref<1x128xf32, #tpu.memory_space<vmem>>, %arg6: memref<1x1x1024xi32, #tpu.memory_space<vmem>>, %arg7: memref<128x512xf32, #tpu.memory_space<vmem>>, %arg8: memref<1x512xf32, #tpu.memory_space<vmem>>, %arg9: memref<1x512xf32, #tpu.memory_space<vmem>>, %arg10: memref<128x16xf32, #tpu.memory_space<vmem>>, %arg11: memref<1x16xf32, #tpu.memory_space<vmem>>, %arg12: memref<64x16xf32, #tpu.memory_space<vmem>>, %arg13: memref<64x128xf32, #tpu.memory_space<vmem>>, %arg14: memref<64x1xf32, #tpu.memory_space<vmem>>) attributes {dimension_semantics = [#tpu.dimension_semantics<arbitrary>], iteration_bounds = array<i64: 10>, scalar_prefetch = 0 : i64, scratch_operands = 2 : i64, tpu.core_type = #tpu.core_type<tc>, window_params = [{transform_indices = @transform_0, window_bounds = array<i64: 1, 1024, 128>}, {transform_indices = @transform_1, window_bounds = array<i64: 1, 1024, 128>}, {transform_indices = @transform_2, window_bounds = array<i64: 1024, 128>}, {transform_indices = @transform_3, window_bounds = array<i64: 1024, 1>}, {pipeline_mode = #tpu.pipeline_mode<synchronous>, transform_indices = @transform_4, window_bounds = array<i64: 1, 128>}, {transform_indices = @transform_5, window_bounds = array<i64: 1, 1, 1024>}, {pipeline_mode = #tpu.pipeline_mode<synchronous>, transform_indices = @transform_6, window_bounds = array<i64: 128, 512>}, {pipeline_mode = #tpu.pipeline_mode<synchronous>, transform_indices = @transform_7, window_bounds = array<i64: 1, 512>}, {pipeline_mode = #tpu.pipeline_mode<synchronous>, transform_indices = @transform_8, window_bounds = array<i64: 1, 512>}, {pipeline_mode = #tpu.pipeline_mode<synchronous>, transform_indices = @transform_9, window_bounds = array<i64: 128, 16>}, {pipeline_mode = #tpu.pipeline_mode<synchronous>, transform_indices = @transform_10, window_bounds = array<i64: 1, 16>}, {pipeline_mode = #tpu.pipeline_mode<synchronous>, transform_indices = @transform_11, window_bounds = array<i64: 64, 16>}]} {
    %eq3A = arith.constant 0 : i32
    %eq3A_0 = arith.cmpi eq, %arg0, %eq3A : i32
    %convert_element_type3A = arith.extui %eq3A_0 : i1 to i32
    %cond3A = arith.constant 0 : i32
    %cond3A_1 = arith.cmpi ne, %convert_element_type3A, %cond3A : i32
    scf.if %cond3A_1 {
      %broadcast_in_dim3A_54 = arith.constant 0.000000e+00 : f32
      %broadcast_in_dim3A_55 = vector.broadcast %broadcast_in_dim3A_54 : f32 to vector<64x128xf32>
      %swap3A_56 = arith.constant 0 : index
      %swap3A_57 = arith.constant 0 : index
      %swap3A_58 = vector.load %arg13[%swap3A_56, %swap3A_57] : memref<64x128xf32, #tpu.memory_space<vmem>>, vector<64x128xf32>
      tpu.vector_store %arg13[%swap3A_56, %swap3A_57], %broadcast_in_dim3A_55 {strides = array<i32>} : memref<64x128xf32, #tpu.memory_space<vmem>>, vector<64x128xf32>,
      %broadcast_in_dim3A_59 = arith.constant 0.000000e+00 : f32
      %broadcast_in_dim3A_60 = vector.broadcast %broadcast_in_dim3A_59 : f32 to vector<64x1xf32>
      %swap3A_61 = arith.constant 0 : index
      %swap3A_62 = arith.constant 0 : index
      %swap3A_63 = vector.load %arg14[%swap3A_61, %swap3A_62] : memref<64x1xf32, #tpu.memory_space<vmem>>, vector<64x1xf32>
      tpu.vector_store %arg14[%swap3A_61, %swap3A_62], %broadcast_in_dim3A_60 {strides = array<i32>} : memref<64x1xf32, #tpu.memory_space<vmem>>, vector<64x1xf32>,
    } else {
    }
    %get3A = arith.constant 0 : index
    %get3A_2 = arith.constant 0 : index
    %get3A_3 = arith.constant 0 : index
    %get3A_4 = vector.load %arg1[%get3A, %get3A_2, %get3A_3] : memref<1x1024x128xf32, #tpu.memory_space<vmem>>, vector<1x1024x128xf32>
    %squeeze3A = vector.shape_cast %get3A_4 : vector<1x1024x128xf32> to vector<1024x128xf32>
    %get3A_5 = arith.constant 0 : index
    %get3A_6 = arith.constant 0 : index
    %get3A_7 = arith.constant 0 : index
    %get3A_8 = vector.load %arg2[%get3A_5, %get3A_6, %get3A_7] : memref<1x1024x128xf32, #tpu.memory_space<vmem>>, vector<1x1024x128xf32>
    %squeeze3A_9 = vector.shape_cast %get3A_8 : vector<1x1024x128xf32> to vector<1024x128xf32>
    %add3A = arith.addf %squeeze3A, %squeeze3A_9 : vector<1024x128xf32>
    %get3A_10 = arith.constant 0 : index
    %get3A_11 = arith.constant 0 : index
    %get3A_12 = vector.load %arg3[%get3A_10, %get3A_11] : memref<1024x128xf32, #tpu.memory_space<vmem>>, vector<1024x128xf32>
    %sub3A = arith.subf %add3A, %get3A_12 : vector<1024x128xf32>
    %get3A_13 = arith.constant 0 : index
    %get3A_14 = arith.constant 0 : index
    %get3A_15 = vector.load %arg4[%get3A_13, %get3A_14] : memref<1024x1xf32, #tpu.memory_space<vmem>>, vector<1024x1xf32>
    %mul3A = vector.broadcast %get3A_15 : vector<1024x1xf32> to vector<1024x128xf32>
    %mul3A_16 = arith.mulf %mul3A, %sub3A : vector<1024x128xf32>
    %get3A_17 = arith.constant 0 : index
    %get3A_18 = arith.constant 0 : index
    %get3A_19 = vector.load %arg5[%get3A_17, %get3A_18] : memref<1x128xf32, #tpu.memory_space<vmem>>, vector<1x128xf32>
    %add3A_20 = vector.broadcast %get3A_19 : vector<1x128xf32> to vector<1024x128xf32>
    %add3A_21 = arith.addf %mul3A_16, %add3A_20 : vector<1024x128xf32>
    %max3A = arith.constant 0.000000e+00 : f32
    %max3A_22 = vector.broadcast %max3A : f32 to vector<1024x128xf32>
    %max3A_23 = arith.maximumf %add3A_21, %max3A_22 : vector<1024x128xf32>
    %get3A_24 = arith.constant 0 : index
    %get3A_25 = arith.constant 0 : index
    %get3A_26 = arith.constant 0 : index
    %get3A_27 = vector.load %arg6[%get3A_24, %get3A_25, %get3A_26] : memref<1x1x1024xi32, #tpu.memory_space<vmem>>, vector<1x1x1024xi32>
    %squeeze3A_28 = vector.shape_cast %get3A_27 : vector<1x1x1024xi32> to vector<1x1024xi32>
    %iota3A = tpu.iota {dimensions = array<i32: 0>} : vector<64x1xi32>
    %eq3A_29 = vector.broadcast %squeeze3A_28 : vector<1x1024xi32> to vector<64x1024xi32>
    %eq3A_30 = vector.broadcast %iota3A : vector<64x1xi32> to vector<64x1024xi32>
    %eq3A_31 = arith.cmpi eq, %eq3A_29, %eq3A_30 : vector<64x1024xi32>
    %convert_element_type3A_32 = arith.extui %eq3A_31 : vector<64x1024xi1> to vector<64x1024xi32>
    %convert_element_type3A_33 = arith.sitofp %convert_element_type3A_32 : vector<64x1024xi32> to vector<64x1024xf32>
    %get3A_34 = arith.constant 0 : index
    %get3A_35 = arith.constant 0 : index
    %get3A_36 = vector.load %arg13[%get3A_34, %get3A_35] : memref<64x128xf32, #tpu.memory_space<vmem>>, vector<64x128xf32>
    %dot_general3A = arith.constant dense<0.000000e+00> : vector<64x128xf32>
    %dot_general3A_37 = tpu.matmul %convert_element_type3A_33, %max3A_23, %dot_general3A {dimension_numbers = #tpu.dot_dimension_numbers<[1], [0], [0], [1], [0, 0, 1, 1], [], []>, transpose_lhs_hint = false} : vector<64x1024xf32>, vector<1024x128xf32>, vector<64x128xf32> -> vector<64x128xf32>
    %add3A_38 = arith.addf %get3A_36, %dot_general3A_37 : vector<64x128xf32>
    %swap3A = arith.constant 0 : index
    %swap3A_39 = arith.constant 0 : index
    %swap3A_40 = vector.load %arg13[%swap3A, %swap3A_39] : memref<64x128xf32, #tpu.memory_space<vmem>>, vector<64x128xf32>
    tpu.vector_store %arg13[%swap3A, %swap3A_39], %add3A_38 {strides = array<i32>} : memref<64x128xf32, #tpu.memory_space<vmem>>, vector<64x128xf32>,
    %get3A_41 = arith.constant 0 : index
    %get3A_42 = arith.constant 0 : index
    %get3A_43 = vector.load %arg14[%get3A_41, %get3A_42] : memref<64x1xf32, #tpu.memory_space<vmem>>, vector<64x1xf32>
    %reduce_sum3A = arith.constant dense<0.000000e+00> : vector<64xf32>
    %reduce_sum3A_44 = vector.multi_reduction <add>, %convert_element_type3A_33, %reduce_sum3A [1] : vector<64x1024xf32> to vector<64xf32>
    %broadcast_in_dim3A = vector.shape_cast %reduce_sum3A_44 : vector<64xf32> to vector<64x1xf32>
    %add3A_45 = arith.addf %get3A_43, %broadcast_in_dim3A : vector<64x1xf32>
    %swap3A_46 = arith.constant 0 : index
    %swap3A_47 = arith.constant 0 : index
    %swap3A_48 = vector.load %arg14[%swap3A_46, %swap3A_47] : memref<64x1xf32, #tpu.memory_space<vmem>>, vector<64x1xf32>
    tpu.vector_store %arg14[%swap3A_46, %swap3A_47], %add3A_45 {strides = array<i32>} : memref<64x1xf32, #tpu.memory_space<vmem>>, vector<64x1xf32>,
    %eq3A_49 = arith.constant 9 : i32
    %eq3A_50 = arith.cmpi eq, %arg0, %eq3A_49 : i32
    %convert_element_type3A_51 = arith.extui %eq3A_50 : i1 to i32
    %cond3A_52 = arith.constant 0 : i32
    %cond3A_53 = arith.cmpi ne, %convert_element_type3A_51, %cond3A_52 : i32
    scf.if %cond3A_53 {
      %get3A_54 = arith.constant 0 : index
      %get3A_55 = arith.constant 0 : index
      %get3A_56 = vector.load %arg13[%get3A_54, %get3A_55] : memref<64x128xf32, #tpu.memory_space<vmem>>, vector<64x128xf32>
      %get3A_57 = arith.constant 0 : index
      %get3A_58 = arith.constant 0 : index
      %get3A_59 = vector.load %arg14[%get3A_57, %get3A_58] : memref<64x1xf32, #tpu.memory_space<vmem>>, vector<64x1xf32>
      %max3A_60 = arith.constant 1.000000e+00 : f32
      %max3A_61 = vector.broadcast %max3A_60 : f32 to vector<64x1xf32>
      %max3A_62 = arith.maximumf %get3A_59, %max3A_61 : vector<64x1xf32>
      %div3A = vector.broadcast %max3A_62 : vector<64x1xf32> to vector<64x128xf32>
      %div3A_63 = arith.divf %get3A_56, %div3A : vector<64x128xf32>
      %get3A_64 = arith.constant 0 : index
      %get3A_65 = arith.constant 0 : index
      %get3A_66 = vector.load %arg7[%get3A_64, %get3A_65] : memref<128x512xf32, #tpu.memory_space<vmem>>, vector<128x512xf32>
      %dot_general3A_67 = arith.constant dense<0.000000e+00> : vector<64x512xf32>
      %dot_general3A_68 = tpu.matmul %div3A_63, %get3A_66, %dot_general3A_67 {dimension_numbers = #tpu.dot_dimension_numbers<[1], [0], [0], [1], [0, 0, 1, 1], [], []>, transpose_lhs_hint = false} : vector<64x128xf32>, vector<128x512xf32>, vector<64x512xf32> -> vector<64x512xf32>
      %get3A_69 = arith.constant 0 : index
      %get3A_70 = arith.constant 0 : index
      %get3A_71 = vector.load %arg8[%get3A_69, %get3A_70] : memref<1x512xf32, #tpu.memory_space<vmem>>, vector<1x512xf32>
      %add3A_72 = vector.broadcast %get3A_71 : vector<1x512xf32> to vector<64x512xf32>
      %add3A_73 = arith.addf %dot_general3A_68, %add3A_72 : vector<64x512xf32>
      %get3A_74 = arith.constant 0 : index
      %get3A_75 = arith.constant 0 : index
      %get3A_76 = vector.load %arg9[%get3A_74, %get3A_75] : memref<1x512xf32, #tpu.memory_space<vmem>>, vector<1x512xf32>
      %add3A_77 = vector.broadcast %get3A_76 : vector<1x512xf32> to vector<64x512xf32>
      %add3A_78 = arith.addf %add3A_73, %add3A_77 : vector<64x512xf32>
      %slice3A = vector.extract_strided_slice %add3A_78 {offsets = [0, 0], sizes = [64, 128], strides = [1, 1]} : vector<64x512xf32> to vector<64x128xf32>
      %logistic3A = arith.negf %slice3A : vector<64x128xf32>
      %logistic3A_79 = math.exp %logistic3A : vector<64x128xf32>
      %logistic3A_80 = arith.constant 1.000000e+00 : f32
      %logistic3A_81 = vector.broadcast %logistic3A_80 : f32 to vector<64x128xf32>
      %logistic3A_82 = arith.addf %logistic3A_81, %logistic3A_79 : vector<64x128xf32>
      %logistic3A_83 = arith.divf %logistic3A_81, %logistic3A_82 : vector<64x128xf32>
      %slice3A_84 = vector.extract_strided_slice %add3A_78 {offsets = [0, 256], sizes = [64, 128], strides = [1, 1]} : vector<64x512xf32> to vector<64x128xf32>
      %tanh3A = math.tanh %slice3A_84 : vector<64x128xf32>
      %slice3A_85 = vector.extract_strided_slice %add3A_78 {offsets = [0, 384], sizes = [64, 128], strides = [1, 1]} : vector<64x512xf32> to vector<64x128xf32>
      %logistic3A_86 = arith.negf %slice3A_85 : vector<64x128xf32>
      %logistic3A_87 = math.exp %logistic3A_86 : vector<64x128xf32>
      %logistic3A_88 = arith.constant 1.000000e+00 : f32
      %logistic3A_89 = vector.broadcast %logistic3A_88 : f32 to vector<64x128xf32>
      %logistic3A_90 = arith.addf %logistic3A_89, %logistic3A_87 : vector<64x128xf32>
      %logistic3A_91 = arith.divf %logistic3A_89, %logistic3A_90 : vector<64x128xf32>
      %mul3A_92 = arith.mulf %logistic3A_83, %tanh3A : vector<64x128xf32>
      %tanh3A_93 = math.tanh %mul3A_92 : vector<64x128xf32>
      %mul3A_94 = arith.mulf %logistic3A_91, %tanh3A_93 : vector<64x128xf32>
      %get3A_95 = arith.constant 0 : index
      %get3A_96 = arith.constant 0 : index
      %get3A_97 = vector.load %arg10[%get3A_95, %get3A_96] : memref<128x16xf32, #tpu.memory_space<vmem>>, vector<128x16xf32>
      %dot_general3A_98 = arith.constant dense<0.000000e+00> : vector<64x16xf32>
      %dot_general3A_99 = tpu.matmul %mul3A_94, %get3A_97, %dot_general3A_98 {dimension_numbers = #tpu.dot_dimension_numbers<[1], [0], [0], [1], [0, 0, 1, 1], [], []>, transpose_lhs_hint = false} : vector<64x128xf32>, vector<128x16xf32>, vector<64x16xf32> -> vector<64x16xf32>
      %get3A_100 = arith.constant 0 : index
      %get3A_101 = arith.constant 0 : index
      %get3A_102 = vector.load %arg11[%get3A_100, %get3A_101] : memref<1x16xf32, #tpu.memory_space<vmem>>, vector<1x16xf32>
      %add3A_103 = vector.broadcast %get3A_102 : vector<1x16xf32> to vector<64x16xf32>
      %add3A_104 = arith.addf %dot_general3A_99, %add3A_103 : vector<64x16xf32>
      %swap3A_105 = arith.constant 0 : index
      %swap3A_106 = arith.constant 0 : index
      %swap3A_107 = vector.load %arg12[%swap3A_105, %swap3A_106] : memref<64x16xf32, #tpu.memory_space<vmem>>, vector<64x16xf32>
      tpu.vector_store %arg12[%swap3A_105, %swap3A_106], %add3A_104 {strides = array<i32>} : memref<64x16xf32, #tpu.memory_space<vmem>>, vector<64x16xf32>,
    } else {
    }
    return
  }
  func.func @transform_0(%arg0: i32) -> (i32, i32, i32) {
    %c0_i32 = arith.constant 0 : i32
    %c0_i32_0 = arith.constant 0 : i32
    %c0_i32_1 = arith.constant 0 : i32
    return %c0_i32, %arg0, %c0_i32_0 : i32, i32, i32
  }
  func.func @transform_1(%arg0: i32) -> (i32, i32, i32) {
    %c1_i32 = arith.constant 1 : i32
    %c0_i32 = arith.constant 0 : i32
    %c0_i32_0 = arith.constant 0 : i32
    return %c1_i32, %arg0, %c0_i32 : i32, i32, i32
  }
  func.func @transform_2(%arg0: i32) -> (i32, i32) {
    %c0_i32 = arith.constant 0 : i32
    %c0_i32_0 = arith.constant 0 : i32
    return %arg0, %c0_i32 : i32, i32
  }
  func.func @transform_3(%arg0: i32) -> (i32, i32) {
    %c0_i32 = arith.constant 0 : i32
    %c0_i32_0 = arith.constant 0 : i32
    return %arg0, %c0_i32 : i32, i32
  }
  func.func @transform_4(%arg0: i32) -> (i32, i32) {
    %c0_i32 = arith.constant 0 : i32
    %c0_i32_0 = arith.constant 0 : i32
    %c0_i32_1 = arith.constant 0 : i32
    return %c0_i32, %c0_i32_0 : i32, i32
  }
  func.func @transform_5(%arg0: i32) -> (i32, i32, i32) {
    %c0_i32 = arith.constant 0 : i32
    %c0_i32_0 = arith.constant 0 : i32
    %c0_i32_1 = arith.constant 0 : i32
    return %arg0, %c0_i32, %c0_i32_0 : i32, i32, i32
  }
  func.func @transform_6(%arg0: i32) -> (i32, i32) {
    %c0_i32 = arith.constant 0 : i32
    %c0_i32_0 = arith.constant 0 : i32
    %c0_i32_1 = arith.constant 0 : i32
    return %c0_i32, %c0_i32_0 : i32, i32
  }
  func.func @transform_7(%arg0: i32) -> (i32, i32) {
    %c0_i32 = arith.constant 0 : i32
    %c0_i32_0 = arith.constant 0 : i32
    %c0_i32_1 = arith.constant 0 : i32
    return %c0_i32, %c0_i32_0 : i32, i32
  }
  func.func @transform_8(%arg0: i32) -> (i32, i32) {
    %c0_i32 = arith.constant 0 : i32
    %c0_i32_0 = arith.constant 0 : i32
    %c0_i32_1 = arith.constant 0 : i32
    return %c0_i32, %c0_i32_0 : i32, i32
  }
  func.func @transform_9(%arg0: i32) -> (i32, i32) {
    %c0_i32 = arith.constant 0 : i32
    %c0_i32_0 = arith.constant 0 : i32
    %c0_i32_1 = arith.constant 0 : i32
    return %c0_i32, %c0_i32_0 : i32, i32
  }
  func.func @transform_10(%arg0: i32) -> (i32, i32) {
    %c0_i32 = arith.constant 0 : i32
    %c0_i32_0 = arith.constant 0 : i32
    %c0_i32_1 = arith.constant 0 : i32
    return %c0_i32, %c0_i32_0 : i32, i32
  }
  func.func @transform_11(%arg0: i32) -> (i32, i32) {
    %c0_i32 = arith.constant 0 : i32
    %c0_i32_0 = arith.constant 0 : i32
    %c0_i32_1 = arith.constant 0 : i32
    return %c0_i32, %c0_i32_0 : i32, i32
  }
}

</mosaic_0001>

<sc_bundles>
// kernel: kernel.12.cloned.1.call-start
scs
__scs_entry_jumppad:
0x0: {  	(pc) =	sbr.rel $0x88, $3  }
0x1: {  	(tag) =	ssettag $0x0;
	lr =	simm.s32 $0x1  }
0x2: {  	[smem:$0x3F95] =	sst lr;
	_ =	strace $0xD0000000  }
0x3: {  	_ = 	snop  }
0x4: {  	_ = 	snop  }
0x5: {  	_ = 	snop  }
0x6: {  	_ = 	snop  }
0x7: {  	_ = 	snop  }
__scs_overlays_trampoline_lowered:
0x8: {  	[smem:$0x3FA4] =	sst s0  }
0x9: {  	[smem:$0x3FA5] =	sst s1  }
0xa: {  	[smem:$0x3FA6] =	sst s2  }
0xb: {  	[smem:$0x3FA7] =	sst s3  }
0xc: {  	[smem:$0x3FA8] =	sst s4  }
0xd: {  	[smem:$0x3FA9] =	sst s5  }
0xe: {  	[smem:$0x3FAA] =	sst s6  }
0xf: {  	[smem:$0x3FAB] =	sst s7  }
0x10: {  	[smem:$0x3FAC] =	sst s8  }
0x11: {  	[smem:$0x3FAD] =	sst s9;
	s0 =	simm.s32 @!p0 $0x0  }
0x12: {  	s1 =	sld [smem:$0x3F93];
	s0 =	simm.s32 @p0 $0x1  }
0x13: {  	[smem:$0x3FAE] =	sst s0;
	s0 =	simm.s32 @!p1 $0x0  }
0x14: {  	s2 =	sld [smem:$0x3F92];
	s0 =	simm.s32 @p1 $0x1  }
0x15: {  	[smem:$0x3FAF] =	sst s0;
	s0 =	simm.s32 @!p2 $0x0  }
0x16: {  	s3 =	sld [smem:$0x3FDB];
	s0 =	simm.s32 @p2 $0x1  }
0x17: {  	s4 =	simm.s32 $0x1BF5;
	[smem:$0x3FB1] =	sst s0  }
0x18: {  	s0 =	sld [smem:$0x3F94];
	_ =	swait.ge [sflag:s4], $0x0  }
0x19: {  	s7 =	sld [smem:$0x3F95]  }
0x1a: {  	s8 =	sadd.s32 $0xFFFFE003, lr  }
0x1b: {  	s9 =	sadd.s32 $0xFFFFFEF7, lr;
	s5 =	simm.s32 $0xFFFFFFFF;
	p2 =	slt.u32 s8, $0xFFFFF086  }
0x1c: {  	p1 =	slt.u32 s9, $0xF7A;
	s5 =	simm.s32 @!p2 $0x0  }
0x1d: {  	s5 =	simm.s32 @p1 $0x1;
	p0 =	seq.s32 s7, s2  }
0x1e: {  	s7 =	smul.u32 @!p0 $0xF7A, s2;
	p2 =	seq.s32 @!p0 s5, $0x0  }
0x1f: {  	s9 =	smul.u32 $0xF7A, s1;
	s8 =	simm.s32 @!p0 $0x1BF5;
	p2 =	por !p2, p0  }
0x20: {  	[sflag:s8] =	ssyncset.s32 @!p0 $0xFFFFF086;
	s6 =	sadd.s32 @!p0 s3, s7;
	s7 =	simm.s32 @!p0 $0x108  }
0x21: {  	s3 =	sadd.s32 s3, s9;
	s6 =	sadd.s32 @!p0 $0x88, s6;
	s7 =	simm.s32 @p2 $0x1082  }
0x22: {  	[simem:s7], [sflag:s8] =	dma.local @!p0 [hbm:s6], $0xF7A  }
0x23: {  	s9 =	sor.u32 $0xD0000000, s2;
	s6 =	simm.s32 $0x108;
	_ =	swait.ge @!p0 [sflag:s8], $0x0  }
0x24: {  	s3 =	sadd.s32 $0x88, s3;
	s6 =	simm.s32 @!p1 $0x1082;
	[sflag:s4] =	ssyncset.s32 $0xFFFFF086  }
0x25: {  	[simem:s6], [sflag:s4] =	dma.local [hbm:s3], $0xF7A  }
0x26: {  	[smem:$0x3F95] =	sst s1;
	(tag) =	ssettag s2;
	_ =	strace s9  }
0x27: {  	s1 =	sld [smem:$0x3FA5]  }
0x28: {  	s2 =	sld [smem:$0x3FA6]  }
0x29: {  	s4 =	sld [smem:$0x3FA8]  }
0x2a: {  	p0 =	seq.s32 s5, $0x0;
	s5 =	sld [smem:$0x3FA9]  }
0x2b: {  	s6 =	sld [smem:$0x3FAA]  }
0x2c: {  	s7 =	sld [smem:$0x3FAB]  }
0x2d: {  	s3 =	simm.s32 $0x108;
	s8 =	sld [smem:$0x3FAC]  }
0x2e: {  	s3 =	simm.s32 @!p0 $0x1082;
	s9 =	sld [smem:$0x3FAD]  }
0x2f: {  	lr =	sadd.s32 s0, s3;
	s0 =	sld [smem:$0x3FA4]  }
0x30: {  	s3 =	sld [smem:$0x3FA7]  }
0x31: {  	[smem:$0x3FB0] =	sst s10  }
0x32: {  	s10 =	sld [smem:$0x3FAE];
	_ =	sdelay $0x3  }
0x33: {  	p0 =	seq.s32 s10, $0x1;
	s10 =	sld [smem:$0x3FB0];
	_ =	sdelay $0x3  }
0x34: {  	[smem:$0x3FB0] =	sst s10  }
0x35: {  	s10 =	sld [smem:$0x3FAF];
	_ =	sdelay $0x3  }
0x36: {  	p1 =	seq.s32 s10, $0x1;
	s10 =	sld [smem:$0x3FB0];
	_ =	sdelay $0x3  }
0x37: {  	[smem:$0x3FB0] =	sst s10  }
0x38: {  	s10 =	sld [smem:$0x3FB1]  }
0x39: {  	_ = 	snop;
	(pc) =	sbr.ind lr, $3  }
0x3a: {  	_ = 	snop  }
0x3b: {  	_ = 	snop  }
0x3c: {  	p2 =	seq.s32 s10, $0x1;
	s10 =	sld [smem:$0x3FB0]  }
0x3d: {  	_ =	shalt  }
0x3e: {  	_ =	shalt  }
0x3f: {  	_ =	shalt  }
0x40: {  	_ =	shalt  }
0x41: {  	_ =	shalt  }
0x42: {  	_ =	shalt  }
0x43: {  	_ =	shalt  }
0x44: {  	_ =	shalt  }
0x45: {  	_ =	shalt  }
0x46: {  	_ =	shalt  }
0x47: {  	_ =	shalt  }
0x48: {  	_ =	shalt  }
0x49: {  	_ =	shalt  }
0x4a: {  	_ =	shalt  }
0x4b: {  	_ =	shalt  }
0x4c: {  	_ =	shalt  }
0x4d: {  	_ =	shalt  }
0x4e: {  	_ =	shalt  }
0x4f: {  	_ =	shalt  }
0x50: {  	_ =	shalt  }
0x51: {  	_ =	shalt  }
0x52: {  	_ =	shalt  }
0x53: {  	_ =	shalt  }
0x54: {  	_ =	shalt  }
0x55: {  	_ =	shalt  }
0x56: {  	_ =	shalt  }
0x57: {  	_ =	shalt  }
0x58: {  	_ =	shalt  }
0x59: {  	_ =	shalt  }
0x5a: {  	_ =	shalt  }
0x5b: {  	_ =	shalt  }
0x5c: {  	_ =	shalt  }
0x5d: {  	_ =	shalt  }
0x5e: {  	_ =	shalt  }
0x5f: {  	_ =	shalt  }
0x60: {  	_ =	shalt  }
0x61: {  	_ =	shalt  }
0x62: {  	_ =	shalt  }
0x63: {  	_ =	shalt  }
0x64: {  	_ =	shalt  }
0x65: {  	_ =	shalt  }
0x66: {  	_ =	shalt  }
0x67: {  	_ =	shalt  }
0x68: {  	_ =	shalt  }
0x69: {  	_ =	shalt  }
0x6a: {  	_ =	shalt  }
0x6b: {  	_ =	shalt  }
0x6c: {  	_ =	shalt  }
0x6d: {  	_ =	shalt  }
0x6e: {  	_ =	shalt  }
0x6f: {  	_ =	shalt  }
0x70: {  	_ =	shalt  }
0x71: {  	_ =	shalt  }
0x72: {  	_ =	shalt  }
0x73: {  	_ =	shalt  }
0x74: {  	_ =	shalt  }
0x75: {  	_ =	shalt  }
0x76: {  	_ =	shalt  }
0x77: {  	_ =	shalt  }
0x78: {  	_ =	shalt  }
0x79: {  	_ =	shalt  }
0x7a: {  	_ =	shalt  }
0x7b: {  	_ =	shalt  }
0x7c: {  	_ =	shalt  }
0x7d: {  	_ =	shalt  }
0x7e: {  	_ =	shalt  }
0x7f: {  	_ =	shalt  }
0x80: {  	_ =	shalt  }
0x81: {  	_ =	shalt  }
0x82: {  	_ =	shalt  }
0x83: {  	_ =	shalt  }
0x84: {  	_ =	shalt  }
0x85: {  	_ =	shalt  }
0x86: {  	_ =	shalt  }
0x87: {  	_ =	shalt  }
.Lfunc_end0:
.L_simem_size_0:
called_computation.1_lowered:
.L_overlay_start_0:
0x88: {  	s2 =	sld [smem:$0x3FD9]  }
0x89: {  	s3 =	sld [smem:$0x3FFE];
	_ =	sdelay $0x1  }
0x8a: {  	s1 =	srdreg.scid  }
0x8b: {  	s0 =	sand.u32 $0x1, s1  }
0x8c: {  	s16 =	sshll.u32 s0, $0xA;
	s2 =	sadd.s32 s3, s2  }
0x8d: {  	s2 =	sadd.s32 s2, s16  }
0x8e: {  	[smem:$0x3FBC] =	sst s2  }
0x8f: {  	_ = 	snop  }
0x90: {  	(tm) =	ssettm $0x1  }
0x91: {  	s17 =	sld [smem:$0x3FFB];
	_ =	sdelay $0x3  }
0x92: {  	_ =	strace s17  }
0x93: {  	s2 =	sld [smem:$0x3FFC];
	_ =	sdelay $0x3  }
0x94: {  	_ =	strace s2  }
0x95: {  	s2 =	sld [smem:$0x3FFD];
	_ =	sdelay $0x3  }
0x96: {  	_ =	strace s2  }
0x97: {  	_ =	strace $0x8FFFFFFF  }
0x98: {  	s18 =	sld [smem:$0x3FDB];
	_ =	sdelay $0x1  }
0x99: {  	s19 =	simm.s32 $_scs_section_size  }
0x9a: {  	s4 =	simm.s32 $_size__tile_overlayer_lowered;
	s5 =	simm.s32 $_tile_overlayer_lowered  }
0x9b: {  	s22 =	simm.s32 $0x1BFF;
	s21 =	sshll.u32 s5, $0x1;
	s2 =	sadd.s32 s19, s18  }
0x9c: {  	s6 =	simm.s32 $0x0;
	s20 =	sshll.u32 s4, $0x1;
	s4 =	sadd.s32 s21, s2  }
0x9d: {  	[timem:s6], [sflag:s22] =	dma.local [hbm:s4], s20  }
0x9e: {  	_ =	swait.ge [sflag:s22], s20  }
0x9f: {  	s3 =	ssub.s32 $0x0, s20;
	[sflag:s22] =	ssyncset.done $0x0  }
0xa0: {  	[sflag:s22] =	ssyncadd.s32 s3;
	_ =	sdelay $0x1  }
0xa1: {  	s23 =	simm.s32 $0x1B8B  }
0xa2: {  	_ =	swait.ge [sflag:s23], $0x1  }
0xa3: {  	[sflag:s23] =	ssyncset.done $0x0  }
0xa4: {  	s25 =	simm.s32 $0x1B8E;
	s24 =	sld [smem:$0x3FFE];
	[sflag:s23] =	ssyncadd.s32 $0xFFFFFFFF  }
0xa5: {  	s26 =	simm.s32 $execute0_lowered;
	[smem:$0x3FD2] =	sst s25  }
0xa6: {  	s4 =	sshll.u32 s26, $0x1;
	_ =	strace $0x80000049;
	[dreg:$0x1] =	wrdreg $0xFFFFFFFF  }
0xa7: {  	s28 =	simm.s32 $_size_execute0_lowered;
	s2 =	sadd.s32 s2, s4;
	[dreg:$0x0] =	wrdreg $0x0  }
0xa8: {  	s4 =	sshll.u32 s28, $0x1;
	[dreg:$0x2] =	wrdreg s2  }
0xa9: {  	[dreg:$0x3] =	wrdreg s4  }
0xaa: {  	[dreg:$0x4] =	wrdreg $0xC0  }
0xab: {  	_ =	task [dreg:s6], $0x5FFFF  }
0xac: {  	[dreg:$0x1] =	wrdreg $0xFFFFFFFF  }
0xad: {  	[dreg:$0x0] =	wrdreg $0x60  }
0xae: {  	[dreg:$0x2] =	wrdreg s24  }
0xaf: {  	[dreg:$0x3] =	wrdreg $0xA8000  }
0xb0: {  	[dreg:$0x4] =	wrdreg $0x9  }
0xb1: {  	_ =	task.clear_ibuf [dreg:s6], $0x5FFFF;
	_ =	strace $0x90000049  }
0xb2: {  	s29 =	simm.s32 $0x9;
	_ =	strace $0x8000004B  }
0xb3: {  	_ =	swait.ge [sflag:s29], $0x1  }
0xb4: {  	[sflag:s29] =	ssyncadd.s32 $0xFFFFFFFF  }
0xb5: {  	_ =	strace $0x9000004B  }
0xb6: {  	_ =	sfence  }
0xb7: {  	s30 =	sld [smem:$0x0];
	_ =	sdelay $0x2  }
0xb8: {  	s31 =	sshll.u32 s1, $0xD;
	s1 =	sshrl.u32 s1, $0x2  }
0xb9: {  	s3 =	sand.u32 $0x4000, s31;
	s1 =	sadd.s32 s1, s30  }
0xba: {  	s0 =	sor.u32 s3, s0;
	s1 =	sshll.u32 s1, $0x11  }
0xbb: {  	s0 =	sor.u32 s1, s0  }
0xbc: {  	s0 =	sadd.s32 $0x8F2B, s0  }
0xbd: {  	[sflag:s0] =	ssyncadd.remote.s32 $0x1  }
0xbe: {  	_ =	sfence.sel $0xFFFF  }
0xbf: {  	[dreg:$0x0] =	wrdreg $0xFFFFFFFF;
	(pc) =	sbr.abs _section_cstart, $3  }
0xc0: {  	[dreg:$0x1] =	wrdreg $0xFFFFFFFF  }
0xc1: {  	_ =	task.clear_ibuf [dreg:s6], $0x2FFFF;
	_ =	strace $0x9FFFFFFF  }
0xc2: {  	(tm) =	ssettm $0x7FFFFFFF  }
0xc3: {  	_ =	shalt  }
tec
execute0_lowered:
.L_overlay_start_1:
0x0: {  	(tag) =	ssettag $0x1  }
0x1: {  	s5 =	rddreg [dreg:$0x0]  }
0x2: {  	s0 =	srdreg.scid;
	s2 =	rddreg [dreg:$0x1]  }
0x3: {  	s3 =	simm.s32 $0x0;
	s15 =	simm.s32 $0x1400;
	s16 =	simm.s32 $0x80  }
0x4: {  	s17 =	simm.s32 $0x2800;
	s18 =	simm.s32 $0x6800;
	s19 =	simm.s32 $0x1  }
0x5: {  	s20 =	simm.s32 $0x2;
	s21 =	simm.s32 $0x1380;
	s22 =	simm.s32 $0x2700  }
0x6: {  	s23 =	simm.s32 $0x2780;
	s4 =	sand.u32 $0x1, s0;
	s0 =	stileid.u32  }
0x7: {  	s24 =	simm.s32 $0x0;
	[smem:$0x7FF] =	sst s3;
	s7 =	smul.u32 $0x14000, s0  }
0x8: {  	s1 =	sshll.u32 s4, $0x4;
	s8 =	smul.u32 $0x140000, s4;
	s28 =	ssub.s32 $0x2, s4  }
0x9: {  	s11 =	smul.u32 $0x50000, s0;
	s4 =	sadd.s32 $0x17400, s5;
	s1 =	sor.u32 s0, s1  }
0xa: {  	s31 =	sshll.u32 s0, $0x6;
	s9 =	sshrl.u32 s28, $0x1;
	s6 =	smul.u32 $0x2800, s1  }
0xb: {  	s1 =	rddreg [dreg:$0x2];
	_ =	strace $0x8000004A;
	s26 =	sadd.s32 s7, s8  }
0xc: {  	s13 =	ssub.s32 s28, s9;
	s29 =	sshrl.u32 s11, $0x2;
	s6 =	sshrl.u32 s6, $0x3  }
0xd: {  	s30 =	sshrl.u32 s7, $0x3;
	s10 =	sadd.s32 s6, s5;
	s6 =	sshrl.u32 s26, $0x3  }
0xe: {  	s14 =	sadd.s32 s29, s2;
	s12 =	sadd.s32 s6, s5;
	s5 =	sadd.s32 s4, s30  }
0xf: {  	s6 =	sor.u32 $0x1C03, s31;
	s7 =	sadd.s32 $0x3400, s10;
	s8 =	sadd.s32 $0xD400, s10  }
0x10: {  	s9 =	sadd.s32 $0x3680, s10;
	s10 =	sadd.s32 $0xD680, s10;
	s11 =	sadd.s32 $0x3F400, s12  }
0x11: {  	s12 =	smax.u32 s13, $0x1;
	s13 =	sshrl.u32 s14, $0x3;
	s14 =	simm.s32 $0x3  }
.LBB2_1:
0x12: {  	[spmem:s13], [sflag:s6] =	dma.local [hbm:s5], $0x2800  }
0x13: {  	_ =	swait.ge [sflag:s14], $0x2800  }
0x14: {  	[sflag:s14] =	ssyncset.done $0x0  }
0x15: {  	[sflag:s14] =	ssyncadd.s32 $0xFFFFD800  }
0x16: {  	[bflag:$0x0] =	sbarrier.arrive $0xFFFF  }
0x17: {  	[tilespmem:s3], [sflag:$0x3] =	stream.linear.gather [hbm4b:s7+s3], $0x1400, $0x38;
	[tilespmem:$0x1E800] =	vst v63  }
0x18: {  	_ =	swait.ge [sflag:s14], $0x1400  }
0x19: {  	[sflag:s14] =	ssyncset.done $0x0  }
0x1a: {  	[sflag:s14] =	ssyncadd.s32 $0xFFFFEC00  }
0x1b: {  	[tilespmem:s15], [sflag:$0x3] =	stream.linear.gather [hbm4b:s8+s3], $0x1400, $0x38;
	[tilespmem:$0x1E800] =	vst v63  }
0x1c: {  	_ =	swait.ge [sflag:s14], $0x1400  }
0x1d: {  	[sflag:s14] =	ssyncset.done $0x0  }
0x1e: {  	[sflag:s14] =	ssyncadd.s32 $0xFFFFEC00  }
0x1f: {  	[tilespmem:s17], [sflag:$0x1] =	stream.indirect.gather [hbm4b:s4+s16], $0x80, s3, s16, $0xb8;
	[tilespmem:$0x1E800] =	vst v63  }
0x20: {  	s25 =	simm.s32 $0x80  }
0x21: {  	[tilespmem:s18], [sflag:$0x2] =	stream.indirect.gather [hbm4b:s4+s16], $0x80, s25, s16, $0xb8;
	[tilespmem:$0x1E800] =	vst v63  }
0x22: {  	_ =	swait.ge [sflag:s19], $0x4000  }
0x23: {  	[sflag:s19] =	ssyncset.done $0x0  }
0x24: {  	s29 =	simm.s32 $0x1400;
	[sflag:s19] =	ssyncadd.s32 $0xFFFFC000  }
0x25: {  	[spmem:s2] =	stream.indirect.scatter.add.f32 [tilespmem:s17], [sflag:$0x3], $0x80, s29, s16, $0xb8;
	[tilespmem:$0x1E800] =	vst v63  }
0x26: {  	_ =	swait.ge [sflag:s14], $0x4000  }
0x27: {  	[sflag:s14] =	ssyncset.done $0x0  }
0x28: {  	s30 =	simm.s32 $0x100;
	[sflag:s14] =	ssyncadd.s32 $0xFFFFC000  }
0x29: {  	[tilespmem:s17], [sflag:$0x1] =	stream.indirect.gather [hbm4b:s4+s16], $0x80, s30, s16, $0xb8;
	[tilespmem:$0x1E800] =	vst v63  }
0x2a: {  	_ =	swait.ge [sflag:s20], $0x4000  }
0x2b: {  	[sflag:s20] =	ssyncset.done $0x0  }
0x2c: {  	s31 =	simm.s32 $0x1480;
	[sflag:s20] =	ssyncadd.s32 $0xFFFFC000  }
0x2d: {  	[spmem:s2] =	stream.indirect.scatter.add.f32 [tilespmem:s18], [sflag:$0x3], $0x80, s31, s16, $0xb8;
	[tilespmem:$0x1E800] =	vst v63  }
0x2e: {  	_ =	swait.ge [sflag:s14], $0x4000  }
0x2f: {  	s26 =	simm.s32 $0x800;
	s25 =	simm.s32 $0x100;
	[sflag:s14] =	ssyncset.done $0x0  }
.LBB2_2:
0x30: {  	s28 =	sadd.s32 $0x80, s25  }
0x31: {  	[sflag:s14] =	ssyncadd.s32 $0xFFFFC000;
	s29 =	smov.u32 s26;
	s30 =	sadd.s32 $0x400, s26  }
0x32: {  	[tilespmem:s18], [sflag:$0x2] =	stream.indirect.gather [hbm4b:s4+s16], $0x80, s28, s16, $0xb8;
	[tilespmem:$0x1E800] =	vst v63  }
0x33: {  	p0 =	sne.s32 s26, $0x4800;
	_ =	swait.ge [sflag:s19], $0x4000  }
0x34: {  	[sflag:s19] =	ssyncset.done $0x0  }
0x35: {  	s26 =	sadd.s32 $0x1400, s25;
	[sflag:s19] =	ssyncadd.s32 $0xFFFFC000  }
0x36: {  	[spmem:s2] =	stream.indirect.scatter.add.f32 [tilespmem:s17], [sflag:$0x3], $0x80, s26, s16, $0xb8;
	[tilespmem:$0x1E800] =	vst v63  }
0x37: {  	_ =	swait.ge [sflag:s14], $0x4000  }
0x38: {  	[sflag:s14] =	ssyncset.done $0x0  }
0x39: {  	s26 =	sadd.s32 $0x100, s25;
	[sflag:s14] =	ssyncadd.s32 $0xFFFFC000  }
0x3a: {  	[tilespmem:s17], [sflag:$0x1] =	stream.indirect.gather [hbm4b:s4+s16], $0x80, s26, s16, $0xb8;
	[tilespmem:$0x1E800] =	vst v63  }
0x3b: {  	_ =	swait.ge [sflag:s20], $0x4000  }
.Ltmp0:
0x3c: {  	[sflag:s20] =	ssyncset.done $0x0;
	(pc) =	sbr.rel @p0 .LBB2_2-.Ltmp0, $4  }
0x3d: {  	s25 =	sadd.s32 $0x1480, s25;
	[sflag:s20] =	ssyncadd.s32 $0xFFFFC000  }
0x3e: {  	[spmem:s2] =	stream.indirect.scatter.add.f32 [tilespmem:s18], [sflag:$0x3], $0x80, s25, s16, $0xb8;
	[tilespmem:$0x1E800] =	vst v63  }
0x3f: {  	_ =	swait.ge [sflag:s14], $0x4000  }
0x40: {  	s26 =	smov.u32 s30;
	s25 =	sshra.s32 s29, $0x2;
	[sflag:s14] =	ssyncset.done $0x0  }
0x41: {  	s26 =	sadd.s32 $0x80, s25;
	[sflag:s14] =	ssyncadd.s32 $0xFFFFC000  }
0x42: {  	[tilespmem:s18], [sflag:$0x2] =	stream.indirect.gather [hbm4b:s4+s16], $0x80, s26, s16, $0xb8;
	[tilespmem:$0x1E800] =	vst v63  }
0x43: {  	_ =	swait.ge [sflag:s19], $0x4000  }
0x44: {  	[sflag:s19] =	ssyncset.done $0x0  }
0x45: {  	s29 =	sadd.s32 $0x1400, s25;
	[sflag:s19] =	ssyncadd.s32 $0xFFFFC000  }
0x46: {  	[spmem:s2] =	stream.indirect.scatter.add.f32 [tilespmem:s17], [sflag:$0x3], $0x80, s29, s16, $0xb8;
	[tilespmem:$0x1E800] =	vst v63  }
0x47: {  	_ =	swait.ge [sflag:s14], $0x4000  }
0x48: {  	[sflag:s14] =	ssyncset.done $0x0  }
0x49: {  	s30 =	sadd.s32 $0x100, s25;
	[sflag:s14] =	ssyncadd.s32 $0xFFFFC000  }
0x4a: {  	[tilespmem:s17], [sflag:$0x1] =	stream.indirect.gather [hbm4b:s4+s16], $0x80, s30, s16, $0xb8;
	[tilespmem:$0x1E800] =	vst v63  }
0x4b: {  	_ =	swait.ge [sflag:s20], $0x4000  }
0x4c: {  	[sflag:s20] =	ssyncset.done $0x0  }
0x4d: {  	s31 =	sadd.s32 $0x1480, s25;
	[sflag:s20] =	ssyncadd.s32 $0xFFFFC000  }
0x4e: {  	[spmem:s2] =	stream.indirect.scatter.add.f32 [tilespmem:s18], [sflag:$0x3], $0x80, s31, s16, $0xb8;
	[tilespmem:$0x1E800] =	vst v63  }
0x4f: {  	_ =	swait.ge [sflag:s14], $0x4000  }
0x50: {  	[sflag:s14] =	ssyncset.done $0x0  }
0x51: {  	[sflag:s14] =	ssyncadd.s32 $0xFFFFC000  }
0x52: {  	[tilespmem:s18], [sflag:$0x2] =	stream.indirect.gather [hbm4b:s4+s16], $0x80, s21, s16, $0xb8;
	[tilespmem:$0x1E800] =	vst v63  }
0x53: {  	_ =	swait.ge [sflag:s19], $0x4000  }
0x54: {  	[sflag:s19] =	ssyncset.done $0x0  }
0x55: {  	[sflag:s19] =	ssyncadd.s32 $0xFFFFC000  }
0x56: {  	[spmem:s2] =	stream.indirect.scatter.add.f32 [tilespmem:s17], [sflag:$0x3], $0x80, s22, s16, $0xb8;
	[tilespmem:$0x1E800] =	vst v63  }
0x57: {  	_ =	swait.ge [sflag:s14], $0x4000  }
0x58: {  	[sflag:s14] =	ssyncset.done $0x0  }
0x59: {  	[sflag:s14] =	ssyncadd.s32 $0xFFFFC000  }
0x5a: {  	_ =	swait.ge [sflag:s20], $0x4000  }
0x5b: {  	[sflag:s20] =	ssyncset.done $0x0  }
0x5c: {  	[sflag:s20] =	ssyncadd.s32 $0xFFFFC000  }
0x5d: {  	[spmem:s2] =	stream.indirect.scatter.add.f32 [tilespmem:s18], [sflag:$0x3], $0x80, s23, s16, $0xb8;
	[tilespmem:$0x1E800] =	vst v63  }
0x5e: {  	_ =	swait.ge [sflag:s14], $0x4000  }
0x5f: {  	[sflag:s14] =	ssyncset.done $0x0  }
0x60: {  	s26 =	simm.s32 $0x0;
	[sflag:s14] =	ssyncadd.s32 $0xFFFFC000  }
0x61: {  	[tilespmem:s26], [sflag:$0x3] =	stream.linear.gather [hbm4b:s9+s26], $0x1400, $0x38;
	[tilespmem:$0x1E800] =	vst v63  }
0x62: {  	_ =	swait.ge [sflag:s14], $0x1400  }
0x63: {  	[sflag:s14] =	ssyncset.done $0x0  }
0x64: {  	[sflag:s14] =	ssyncadd.s32 $0xFFFFEC00  }
0x65: {  	[tilespmem:s15], [sflag:$0x3] =	stream.linear.gather [hbm4b:s10+s26], $0x1400, $0x38;
	[tilespmem:$0x1E800] =	vst v63  }
0x66: {  	_ =	swait.ge [sflag:s14], $0x1400  }
0x67: {  	[sflag:s14] =	ssyncset.done $0x0  }
0x68: {  	[sflag:s14] =	ssyncadd.s32 $0xFFFFEC00  }
0x69: {  	[tilespmem:s17], [sflag:$0x1] =	stream.indirect.gather [hbm4b:s4+s16], $0x80, s26, s16, $0xb8;
	[tilespmem:$0x1E800] =	vst v63  }
0x6a: {  	s28 =	simm.s32 $0x80  }
0x6b: {  	[tilespmem:s18], [sflag:$0x2] =	stream.indirect.gather [hbm4b:s4+s16], $0x80, s28, s16, $0xb8;
	[tilespmem:$0x1E800] =	vst v63  }
0x6c: {  	_ =	swait.ge [sflag:s19], $0x4000  }
0x6d: {  	[sflag:s19] =	ssyncset.done $0x0  }
0x6e: {  	s29 =	simm.s32 $0x1400;
	[sflag:s19] =	ssyncadd.s32 $0xFFFFC000  }
0x6f: {  	[spmem:s2] =	stream.indirect.scatter.add.f32 [tilespmem:s17], [sflag:$0x3], $0x80, s29, s16, $0xb8;
	[tilespmem:$0x1E800] =	vst v63  }
0x70: {  	_ =	swait.ge [sflag:s14], $0x4000  }
0x71: {  	[sflag:s14] =	ssyncset.done $0x0  }
0x72: {  	s30 =	simm.s32 $0x100;
	[sflag:s14] =	ssyncadd.s32 $0xFFFFC000  }
0x73: {  	[tilespmem:s17], [sflag:$0x1] =	stream.indirect.gather [hbm4b:s4+s16], $0x80, s30, s16, $0xb8;
	[tilespmem:$0x1E800] =	vst v63  }
0x74: {  	_ =	swait.ge [sflag:s20], $0x4000  }
0x75: {  	[sflag:s20] =	ssyncset.done $0x0  }
0x76: {  	s31 =	simm.s32 $0x1480;
	[sflag:s20] =	ssyncadd.s32 $0xFFFFC000  }
0x77: {  	[spmem:s2] =	stream.indirect.scatter.add.f32 [tilespmem:s18], [sflag:$0x3], $0x80, s31, s16, $0xb8;
	[tilespmem:$0x1E800] =	vst v63  }
0x78: {  	_ =	swait.ge [sflag:s14], $0x4000  }
0x79: {  	s25 =	simm.s32 $0x100;
	s26 =	simm.s32 $0x800;
	[sflag:s14] =	ssyncset.done $0x0  }
.LBB2_4:
0x7a: {  	s28 =	sadd.s32 $0x80, s25  }
0x7b: {  	[sflag:s14] =	ssyncadd.s32 $0xFFFFC000;
	s29 =	smov.u32 s26;
	s30 =	sadd.s32 $0x400, s26  }
0x7c: {  	[tilespmem:s18], [sflag:$0x2] =	stream.indirect.gather [hbm4b:s4+s16], $0x80, s28, s16, $0xb8;
	[tilespmem:$0x1E800] =	vst v63  }
0x7d: {  	p0 =	sne.s32 s26, $0x4800;
	_ =	swait.ge [sflag:s19], $0x4000  }
0x7e: {  	[sflag:s19] =	ssyncset.done $0x0  }
0x7f: {  	s26 =	sadd.s32 $0x1400, s25;
	[sflag:s19] =	ssyncadd.s32 $0xFFFFC000  }
0x80: {  	[spmem:s2] =	stream.indirect.scatter.add.f32 [tilespmem:s17], [sflag:$0x3], $0x80, s26, s16, $0xb8;
	[tilespmem:$0x1E800] =	vst v63  }
0x81: {  	_ =	swait.ge [sflag:s14], $0x4000  }
0x82: {  	[sflag:s14] =	ssyncset.done $0x0  }
0x83: {  	s26 =	sadd.s32 $0x100, s25;
	[sflag:s14] =	ssyncadd.s32 $0xFFFFC000  }
0x84: {  	[tilespmem:s17], [sflag:$0x1] =	stream.indirect.gather [hbm4b:s4+s16], $0x80, s26, s16, $0xb8;
	[tilespmem:$0x1E800] =	vst v63  }
0x85: {  	_ =	swait.ge [sflag:s20], $0x4000  }
.Ltmp1:
0x86: {  	[sflag:s20] =	ssyncset.done $0x0;
	(pc) =	sbr.rel @p0 .LBB2_4-.Ltmp1, $4  }
0x87: {  	s25 =	sadd.s32 $0x1480, s25;
	[sflag:s20] =	ssyncadd.s32 $0xFFFFC000  }
0x88: {  	[spmem:s2] =	stream.indirect.scatter.add.f32 [tilespmem:s18], [sflag:$0x3], $0x80, s25, s16, $0xb8;
	[tilespmem:$0x1E800] =	vst v63  }
0x89: {  	_ =	swait.ge [sflag:s14], $0x4000  }
0x8a: {  	s26 =	smov.u32 s30;
	s25 =	sshra.s32 s29, $0x2;
	[sflag:s14] =	ssyncset.done $0x0  }
0x8b: {  	s26 =	sadd.s32 $0x80, s25;
	[sflag:s14] =	ssyncadd.s32 $0xFFFFC000  }
0x8c: {  	[tilespmem:s18], [sflag:$0x2] =	stream.indirect.gather [hbm4b:s4+s16], $0x80, s26, s16, $0xb8;
	[tilespmem:$0x1E800] =	vst v63  }
0x8d: {  	_ =	swait.ge [sflag:s19], $0x4000  }
0x8e: {  	[sflag:s19] =	ssyncset.done $0x0  }
0x8f: {  	s29 =	sadd.s32 $0x1400, s25;
	[sflag:s19] =	ssyncadd.s32 $0xFFFFC000  }
0x90: {  	[spmem:s2] =	stream.indirect.scatter.add.f32 [tilespmem:s17], [sflag:$0x3], $0x80, s29, s16, $0xb8;
	[tilespmem:$0x1E800] =	vst v63  }
0x91: {  	_ =	swait.ge [sflag:s14], $0x4000  }
0x92: {  	[sflag:s14] =	ssyncset.done $0x0  }
0x93: {  	s30 =	sadd.s32 $0x100, s25;
	[sflag:s14] =	ssyncadd.s32 $0xFFFFC000  }
0x94: {  	[tilespmem:s17], [sflag:$0x1] =	stream.indirect.gather [hbm4b:s4+s16], $0x80, s30, s16, $0xb8;
	[tilespmem:$0x1E800] =	vst v63  }
0x95: {  	_ =	swait.ge [sflag:s20], $0x4000  }
0x96: {  	[sflag:s20] =	ssyncset.done $0x0  }
0x97: {  	s31 =	sadd.s32 $0x1480, s25;
	[sflag:s20] =	ssyncadd.s32 $0xFFFFC000  }
0x98: {  	[spmem:s2] =	stream.indirect.scatter.add.f32 [tilespmem:s18], [sflag:$0x3], $0x80, s31, s16, $0xb8;
	[tilespmem:$0x1E800] =	vst v63  }
0x99: {  	_ =	swait.ge [sflag:s14], $0x4000  }
0x9a: {  	[sflag:s14] =	ssyncset.done $0x0  }
0x9b: {  	[sflag:s14] =	ssyncadd.s32 $0xFFFFC000  }
0x9c: {  	[tilespmem:s18], [sflag:$0x2] =	stream.indirect.gather [hbm4b:s4+s16], $0x80, s21, s16, $0xb8;
	[tilespmem:$0x1E800] =	vst v63  }
0x9d: {  	_ =	swait.ge [sflag:s19], $0x4000  }
0x9e: {  	[sflag:s19] =	ssyncset.done $0x0  }
0x9f: {  	[sflag:s19] =	ssyncadd.s32 $0xFFFFC000  }
0xa0: {  	[spmem:s2] =	stream.indirect.scatter.add.f32 [tilespmem:s17], [sflag:$0x3], $0x80, s22, s16, $0xb8;
	[tilespmem:$0x1E800] =	vst v63  }
0xa1: {  	_ =	swait.ge [sflag:s14], $0x4000  }
0xa2: {  	[sflag:s14] =	ssyncset.done $0x0  }
0xa3: {  	[sflag:s14] =	ssyncadd.s32 $0xFFFFC000  }
0xa4: {  	_ =	swait.ge [sflag:s20], $0x4000  }
0xa5: {  	[sflag:s20] =	ssyncset.done $0x0  }
0xa6: {  	[sflag:s20] =	ssyncadd.s32 $0xFFFFC000  }
0xa7: {  	[spmem:s2] =	stream.indirect.scatter.add.f32 [tilespmem:s18], [sflag:$0x3], $0x80, s23, s16, $0xb8;
	[tilespmem:$0x1E800] =	vst v63  }
0xa8: {  	_ =	swait.ge [sflag:s14], $0x4000  }
0xa9: {  	s24 =	sadd.s32 $0x1, s24;
	[sflag:s14] =	ssyncset.done $0x0  }
0xaa: {  	p0 =	sne.s32 s24, s12;
	[sflag:s14] =	ssyncadd.s32 $0xFFFFC000  }
.Ltmp2:
0xab: {  	[bflag:$0x0] =	sbarrier.arrive $0xFFFF;
	(pc) =	sbr.rel @p0 .LBB2_1-.Ltmp2, $4  }
0xac: {  	[hbm:s11], [sflag:s6] =	dma.local [spmem:s13], $0x2800  }
0xad: {  	_ =	swait.ge [sflag:s14], $0x2800  }
0xae: {  	[sflag:s14] =	ssyncset.done $0x0  }
0xaf: {  	[sflag:s14] =	ssyncadd.s32 $0xFFFFD800  }
0xb0: {  	_ =	sfence.sel $0x180000  }
0xb1: {  	[bflag:$0x0] =	sbarrier.arrive $0xFFFF  }
0xb2: {  	p0 =	sne.s32 s0, $0x0;
	_ =	strace $0x9000004A  }
0xb3: {  	s0 =	sadd.s32 @!p0 $0x100000, s1;
	[bflag:$0x2] =	sbarrier.arrive $0xFFFF  }
0xb4: {  	[sflag:s0] =	ssyncadd.tile.s32 @!p0 $0x1;
	_ =	shalt  }
.Lfunc_end2:
_tile_overlayer_lowered:
.L_overlay_start_2:
0xb5: {  	(tag) =	ssettag $0x2  }
0xb6: {  	s0 =	rddreg [dreg:$0x0];
	s2 =	stileid.u32  }
0xb7: {  	s1 =	rddreg [dreg:$0x1];
	p0 =	sne.s32 s2, $0x0  }
0xb8: {  	s3 =	rddreg [dreg:$0x2];
	[bflag:$0x3] =	sbarrier.arrive $0xFFFF;
	s2 =	simm.s32 @!p0 $0x1C03  }
0xb9: {  	[timem:s3], [sflag:s2] =	dma.local @!p0 [hbm:s0], s1  }
0xba: {  	s0 =	simm.s32 @!p0 $0x3  }
0xbb: {  	_ =	swait.ge @!p0 [sflag:s0], s1  }
0xbc: {  	s1 =	ssub.s32 @!p0 $0x0, s1;
	[sflag:s0] =	ssyncset.done @!p0 $0x0  }
0xbd: {  	[sflag:s0] =	ssyncadd.s32 @!p0 s1  }
0xbe: {  	[bflag:$0x3] =	sbarrier.arrive $0xFFFF  }
0xbf: {  	_ =	shalt  }

// kernel: kernel.15.cloned.1.call-start
scs
__scs_entry_jumppad:
0x0: {  	(pc) =	sbr.rel $0x88, $3  }
0x1: {  	(tag) =	ssettag $0x0;
	lr =	simm.s32 $0x1  }
0x2: {  	[smem:$0x3F95] =	sst lr;
	_ =	strace $0xD0000000  }
0x3: {  	_ = 	snop  }
0x4: {  	_ = 	snop  }
0x5: {  	_ = 	snop  }
0x6: {  	_ = 	snop  }
0x7: {  	_ = 	snop  }
__scs_overlays_trampoline_lowered:
0x8: {  	[smem:$0x3FA4] =	sst s0  }
0x9: {  	[smem:$0x3FA5] =	sst s1  }
0xa: {  	[smem:$0x3FA6] =	sst s2  }
0xb: {  	[smem:$0x3FA7] =	sst s3  }
0xc: {  	[smem:$0x3FA8] =	sst s4  }
0xd: {  	[smem:$0x3FA9] =	sst s5  }
0xe: {  	[smem:$0x3FAA] =	sst s6  }
0xf: {  	[smem:$0x3FAB] =	sst s7  }
0x10: {  	[smem:$0x3FAC] =	sst s8  }
0x11: {  	[smem:$0x3FAD] =	sst s9;
	s0 =	simm.s32 @!p0 $0x0  }
0x12: {  	s1 =	sld [smem:$0x3F93];
	s0 =	simm.s32 @p0 $0x1  }
0x13: {  	[smem:$0x3FAE] =	sst s0;
	s0 =	simm.s32 @!p1 $0x0  }
0x14: {  	s2 =	sld [smem:$0x3F92];
	s0 =	simm.s32 @p1 $0x1  }
0x15: {  	[smem:$0x3FAF] =	sst s0;
	s0 =	simm.s32 @!p2 $0x0  }
0x16: {  	s3 =	sld [smem:$0x3FDB];
	s0 =	simm.s32 @p2 $0x1  }
0x17: {  	s4 =	simm.s32 $0x1BF5;
	[smem:$0x3FB1] =	sst s0  }
0x18: {  	s0 =	sld [smem:$0x3F94];
	_ =	swait.ge [sflag:s4], $0x0  }
0x19: {  	s7 =	sld [smem:$0x3F95]  }
0x1a: {  	s8 =	sadd.s32 $0xFFFFE003, lr  }
0x1b: {  	s9 =	sadd.s32 $0xFFFFFEF7, lr;
	s5 =	simm.s32 $0xFFFFFFFF;
	p2 =	slt.u32 s8, $0xFFFFF086  }
0x1c: {  	p1 =	slt.u32 s9, $0xF7A;
	s5 =	simm.s32 @!p2 $0x0  }
0x1d: {  	s5 =	simm.s32 @p1 $0x1;
	p0 =	seq.s32 s7, s2  }
0x1e: {  	s7 =	smul.u32 @!p0 $0xF7A, s2;
	p2 =	seq.s32 @!p0 s5, $0x0  }
0x1f: {  	s9 =	smul.u32 $0xF7A, s1;
	s8 =	simm.s32 @!p0 $0x1BF5;
	p2 =	por !p2, p0  }
0x20: {  	[sflag:s8] =	ssyncset.s32 @!p0 $0xFFFFF086;
	s6 =	sadd.s32 @!p0 s3, s7;
	s7 =	simm.s32 @!p0 $0x108  }
0x21: {  	s3 =	sadd.s32 s3, s9;
	s6 =	sadd.s32 @!p0 $0x88, s6;
	s7 =	simm.s32 @p2 $0x1082  }
0x22: {  	[simem:s7], [sflag:s8] =	dma.local @!p0 [hbm:s6], $0xF7A  }
0x23: {  	s9 =	sor.u32 $0xD0000000, s2;
	s6 =	simm.s32 $0x108;
	_ =	swait.ge @!p0 [sflag:s8], $0x0  }
0x24: {  	s3 =	sadd.s32 $0x88, s3;
	s6 =	simm.s32 @!p1 $0x1082;
	[sflag:s4] =	ssyncset.s32 $0xFFFFF086  }
0x25: {  	[simem:s6], [sflag:s4] =	dma.local [hbm:s3], $0xF7A  }
0x26: {  	[smem:$0x3F95] =	sst s1;
	(tag) =	ssettag s2;
	_ =	strace s9  }
0x27: {  	s1 =	sld [smem:$0x3FA5]  }
0x28: {  	s2 =	sld [smem:$0x3FA6]  }
0x29: {  	s4 =	sld [smem:$0x3FA8]  }
0x2a: {  	p0 =	seq.s32 s5, $0x0;
	s5 =	sld [smem:$0x3FA9]  }
0x2b: {  	s6 =	sld [smem:$0x3FAA]  }
0x2c: {  	s7 =	sld [smem:$0x3FAB]  }
0x2d: {  	s3 =	simm.s32 $0x108;
	s8 =	sld [smem:$0x3FAC]  }
0x2e: {  	s3 =	simm.s32 @!p0 $0x1082;
	s9 =	sld [smem:$0x3FAD]  }
0x2f: {  	lr =	sadd.s32 s0, s3;
	s0 =	sld [smem:$0x3FA4]  }
0x30: {  	s3 =	sld [smem:$0x3FA7]  }
0x31: {  	[smem:$0x3FB0] =	sst s10  }
0x32: {  	s10 =	sld [smem:$0x3FAE];
	_ =	sdelay $0x3  }
0x33: {  	p0 =	seq.s32 s10, $0x1;
	s10 =	sld [smem:$0x3FB0];
	_ =	sdelay $0x3  }
0x34: {  	[smem:$0x3FB0] =	sst s10  }
0x35: {  	s10 =	sld [smem:$0x3FAF];
	_ =	sdelay $0x3  }
0x36: {  	p1 =	seq.s32 s10, $0x1;
	s10 =	sld [smem:$0x3FB0];
	_ =	sdelay $0x3  }
0x37: {  	[smem:$0x3FB0] =	sst s10  }
0x38: {  	s10 =	sld [smem:$0x3FB1]  }
0x39: {  	_ = 	snop;
	(pc) =	sbr.ind lr, $3  }
0x3a: {  	_ = 	snop  }
0x3b: {  	_ = 	snop  }
0x3c: {  	p2 =	seq.s32 s10, $0x1;
	s10 =	sld [smem:$0x3FB0]  }
0x3d: {  	_ =	shalt  }
0x3e: {  	_ =	shalt  }
0x3f: {  	_ =	shalt  }
0x40: {  	_ =	shalt  }
0x41: {  	_ =	shalt  }
0x42: {  	_ =	shalt  }
0x43: {  	_ =	shalt  }
0x44: {  	_ =	shalt  }
0x45: {  	_ =	shalt  }
0x46: {  	_ =	shalt  }
0x47: {  	_ =	shalt  }
0x48: {  	_ =	shalt  }
0x49: {  	_ =	shalt  }
0x4a: {  	_ =	shalt  }
0x4b: {  	_ =	shalt  }
0x4c: {  	_ =	shalt  }
0x4d: {  	_ =	shalt  }
0x4e: {  	_ =	shalt  }
0x4f: {  	_ =	shalt  }
0x50: {  	_ =	shalt  }
0x51: {  	_ =	shalt  }
0x52: {  	_ =	shalt  }
0x53: {  	_ =	shalt  }
0x54: {  	_ =	shalt  }
0x55: {  	_ =	shalt  }
0x56: {  	_ =	shalt  }
0x57: {  	_ =	shalt  }
0x58: {  	_ =	shalt  }
0x59: {  	_ =	shalt  }
0x5a: {  	_ =	shalt  }
0x5b: {  	_ =	shalt  }
0x5c: {  	_ =	shalt  }
0x5d: {  	_ =	shalt  }
0x5e: {  	_ =	shalt  }
0x5f: {  	_ =	shalt  }
0x60: {  	_ =	shalt  }
0x61: {  	_ =	shalt  }
0x62: {  	_ =	shalt  }
0x63: {  	_ =	shalt  }
0x64: {  	_ =	shalt  }
0x65: {  	_ =	shalt  }
0x66: {  	_ =	shalt  }
0x67: {  	_ =	shalt  }
0x68: {  	_ =	shalt  }
0x69: {  	_ =	shalt  }
0x6a: {  	_ =	shalt  }
0x6b: {  	_ =	shalt  }
0x6c: {  	_ =	shalt  }
0x6d: {  	_ =	shalt  }
0x6e: {  	_ =	shalt  }
0x6f: {  	_ =	shalt  }
0x70: {  	_ =	shalt  }
0x71: {  	_ =	shalt  }
0x72: {  	_ =	shalt  }
0x73: {  	_ =	shalt  }
0x74: {  	_ =	shalt  }
0x75: {  	_ =	shalt  }
0x76: {  	_ =	shalt  }
0x77: {  	_ =	shalt  }
0x78: {  	_ =	shalt  }
0x79: {  	_ =	shalt  }
0x7a: {  	_ =	shalt  }
0x7b: {  	_ =	shalt  }
0x7c: {  	_ =	shalt  }
0x7d: {  	_ =	shalt  }
0x7e: {  	_ =	shalt  }
0x7f: {  	_ =	shalt  }
0x80: {  	_ =	shalt  }
0x81: {  	_ =	shalt  }
0x82: {  	_ =	shalt  }
0x83: {  	_ =	shalt  }
0x84: {  	_ =	shalt  }
0x85: {  	_ =	shalt  }
0x86: {  	_ =	shalt  }
0x87: {  	_ =	shalt  }
.Lfunc_end0:
.L_simem_size_0:
called_computation.2_lowered:
.L_overlay_start_0:
0x88: {  	s2 =	sld [smem:$0x3FD9]  }
0x89: {  	s3 =	sld [smem:$0x3FFE];
	_ =	sdelay $0x1  }
0x8a: {  	s1 =	srdreg.scid  }
0x8b: {  	s0 =	sand.u32 $0x1, s1  }
0x8c: {  	s16 =	sshll.u32 s0, $0xA;
	s2 =	sadd.s32 s3, s2  }
0x8d: {  	s2 =	sadd.s32 s2, s16  }
0x8e: {  	[smem:$0x3FBC] =	sst s2  }
0x8f: {  	_ = 	snop  }
0x90: {  	(tm) =	ssettm $0x1  }
0x91: {  	s17 =	sld [smem:$0x3FFB];
	_ =	sdelay $0x3  }
0x92: {  	_ =	strace s17  }
0x93: {  	s2 =	sld [smem:$0x3FFC];
	_ =	sdelay $0x3  }
0x94: {  	_ =	strace s2  }
0x95: {  	s2 =	sld [smem:$0x3FFD];
	_ =	sdelay $0x3  }
0x96: {  	_ =	strace s2  }
0x97: {  	_ =	strace $0x8FFFFFFF  }
0x98: {  	s18 =	sld [smem:$0x3FDB];
	_ =	sdelay $0x1  }
0x99: {  	s19 =	simm.s32 $_scs_section_size  }
0x9a: {  	s4 =	simm.s32 $_size__tile_overlayer_lowered;
	s5 =	simm.s32 $_tile_overlayer_lowered  }
0x9b: {  	s22 =	simm.s32 $0x1BFF;
	s21 =	sshll.u32 s5, $0x1;
	s2 =	sadd.s32 s19, s18  }
0x9c: {  	s6 =	simm.s32 $0x0;
	s20 =	sshll.u32 s4, $0x1;
	s4 =	sadd.s32 s21, s2  }
0x9d: {  	[timem:s6], [sflag:s22] =	dma.local [hbm:s4], s20  }
0x9e: {  	_ =	swait.ge [sflag:s22], s20  }
0x9f: {  	s3 =	ssub.s32 $0x0, s20;
	[sflag:s22] =	ssyncset.done $0x0  }
0xa0: {  	[sflag:s22] =	ssyncadd.s32 s3;
	_ =	sdelay $0x1  }
0xa1: {  	s23 =	simm.s32 $0x1B8B  }
0xa2: {  	_ =	swait.ge [sflag:s23], $0x1  }
0xa3: {  	[sflag:s23] =	ssyncset.done $0x0  }
0xa4: {  	s25 =	simm.s32 $0x1B8E;
	s24 =	sld [smem:$0x3FFE];
	[sflag:s23] =	ssyncadd.s32 $0xFFFFFFFF  }
0xa5: {  	s26 =	simm.s32 $execute0_lowered;
	[smem:$0x3FD2] =	sst s25  }
0xa6: {  	s4 =	sshll.u32 s26, $0x1;
	_ =	strace $0x8000004C;
	[dreg:$0x1] =	wrdreg $0xFFFFFFFF  }
0xa7: {  	s28 =	simm.s32 $_size_execute0_lowered;
	s2 =	sadd.s32 s2, s4;
	[dreg:$0x0] =	wrdreg $0x0  }
0xa8: {  	s4 =	sshll.u32 s28, $0x1;
	[dreg:$0x2] =	wrdreg s2  }
0xa9: {  	[dreg:$0x3] =	wrdreg s4  }
0xaa: {  	[dreg:$0x4] =	wrdreg $0xC0  }
0xab: {  	_ =	task [dreg:s6], $0x5FFFF  }
0xac: {  	[dreg:$0x1] =	wrdreg $0xFFFFFFFF  }
0xad: {  	[dreg:$0x0] =	wrdreg $0x60  }
0xae: {  	[dreg:$0x2] =	wrdreg s24  }
0xaf: {  	[dreg:$0x3] =	wrdreg $0xA8000  }
0xb0: {  	[dreg:$0x4] =	wrdreg $0x9  }
0xb1: {  	_ =	task.clear_ibuf [dreg:s6], $0x5FFFF;
	_ =	strace $0x9000004C  }
0xb2: {  	s29 =	simm.s32 $0x9;
	_ =	strace $0x8000004E  }
0xb3: {  	_ =	swait.ge [sflag:s29], $0x1  }
0xb4: {  	[sflag:s29] =	ssyncadd.s32 $0xFFFFFFFF  }
0xb5: {  	_ =	strace $0x9000004E  }
0xb6: {  	_ =	sfence  }
0xb7: {  	s30 =	sld [smem:$0x0];
	_ =	sdelay $0x2  }
0xb8: {  	s31 =	sshll.u32 s1, $0xD;
	s1 =	sshrl.u32 s1, $0x2  }
0xb9: {  	s3 =	sand.u32 $0x4000, s31;
	s1 =	sadd.s32 s1, s30  }
0xba: {  	s0 =	sor.u32 s3, s0;
	s1 =	sshll.u32 s1, $0x11  }
0xbb: {  	s0 =	sor.u32 s1, s0  }
0xbc: {  	s0 =	sadd.s32 $0x8F2B, s0  }
0xbd: {  	[sflag:s0] =	ssyncadd.remote.s32 $0x1  }
0xbe: {  	_ =	sfence.sel $0xFFFF  }
0xbf: {  	[dreg:$0x0] =	wrdreg $0xFFFFFFFF;
	(pc) =	sbr.abs _section_cstart, $3  }
0xc0: {  	[dreg:$0x1] =	wrdreg $0xFFFFFFFF  }
0xc1: {  	_ =	task.clear_ibuf [dreg:s6], $0x2FFFF;
	_ =	strace $0x9FFFFFFF  }
0xc2: {  	(tm) =	ssettm $0x7FFFFFFF  }
0xc3: {  	_ =	shalt  }
tec
execute0_lowered:
.L_overlay_start_1:
0x0: {  	(tag) =	ssettag $0x1  }
0x1: {  	s5 =	rddreg [dreg:$0x0]  }
0x2: {  	s0 =	srdreg.scid;
	s2 =	rddreg [dreg:$0x1]  }
0x3: {  	s3 =	simm.s32 $0x0;
	s15 =	simm.s32 $0x1400;
	s16 =	simm.s32 $0x80  }
0x4: {  	s17 =	simm.s32 $0x2800;
	s18 =	simm.s32 $0x6800;
	s19 =	simm.s32 $0x1  }
0x5: {  	s20 =	simm.s32 $0x2;
	s21 =	simm.s32 $0x1380;
	s22 =	simm.s32 $0x2700  }
0x6: {  	s23 =	simm.s32 $0x2780;
	s4 =	sand.u32 $0x1, s0;
	s0 =	stileid.u32  }
0x7: {  	s24 =	simm.s32 $0x0;
	[smem:$0x7FF] =	sst s3;
	s7 =	smul.u32 $0x14000, s0  }
0x8: {  	s1 =	sshll.u32 s4, $0x4;
	s8 =	smul.u32 $0x140000, s4;
	s28 =	ssub.s32 $0x2, s4  }
0x9: {  	s11 =	smul.u32 $0x50000, s0;
	s4 =	sadd.s32 $0x17400, s5;
	s1 =	sor.u32 s0, s1  }
0xa: {  	s31 =	sshll.u32 s0, $0x6;
	s9 =	sshrl.u32 s28, $0x1;
	s6 =	smul.u32 $0x2800, s1  }
0xb: {  	s1 =	rddreg [dreg:$0x2];
	_ =	strace $0x8000004D;
	s26 =	sadd.s32 s7, s8  }
0xc: {  	s13 =	ssub.s32 s28, s9;
	s29 =	sshrl.u32 s11, $0x2;
	s6 =	sshrl.u32 s6, $0x3  }
0xd: {  	s30 =	sshrl.u32 s7, $0x3;
	s10 =	sadd.s32 s6, s5;
	s6 =	sshrl.u32 s26, $0x3  }
0xe: {  	s14 =	sadd.s32 s29, s2;
	s12 =	sadd.s32 s6, s5;
	s5 =	sadd.s32 s4, s30  }
0xf: {  	s6 =	sor.u32 $0x1C03, s31;
	s7 =	sadd.s32 $0x3400, s10;
	s8 =	sadd.s32 $0xD400, s10  }
0x10: {  	s9 =	sadd.s32 $0x3680, s10;
	s10 =	sadd.s32 $0xD680, s10;
	s11 =	sadd.s32 $0x3F400, s12  }
0x11: {  	s12 =	smax.u32 s13, $0x1;
	s13 =	sshrl.u32 s14, $0x3;
	s14 =	simm.s32 $0x3  }
.LBB2_1:
0x12: {  	[spmem:s13], [sflag:s6] =	dma.local [hbm:s5], $0x2800  }
0x13: {  	_ =	swait.ge [sflag:s14], $0x2800  }
0x14: {  	[sflag:s14] =	ssyncset.done $0x0  }
0x15: {  	[sflag:s14] =	ssyncadd.s32 $0xFFFFD800  }
0x16: {  	[bflag:$0x0] =	sbarrier.arrive $0xFFFF  }
0x17: {  	[tilespmem:s3], [sflag:$0x3] =	stream.linear.gather [hbm4b:s7+s3], $0x1400, $0x38;
	[tilespmem:$0x1E800] =	vst v63  }
0x18: {  	_ =	swait.ge [sflag:s14], $0x1400  }
0x19: {  	[sflag:s14] =	ssyncset.done $0x0  }
0x1a: {  	[sflag:s14] =	ssyncadd.s32 $0xFFFFEC00  }
0x1b: {  	[tilespmem:s15], [sflag:$0x3] =	stream.linear.gather [hbm4b:s8+s3], $0x1400, $0x38;
	[tilespmem:$0x1E800] =	vst v63  }
0x1c: {  	_ =	swait.ge [sflag:s14], $0x1400  }
0x1d: {  	[sflag:s14] =	ssyncset.done $0x0  }
0x1e: {  	[sflag:s14] =	ssyncadd.s32 $0xFFFFEC00  }
0x1f: {  	[tilespmem:s17], [sflag:$0x1] =	stream.indirect.gather [hbm4b:s4+s16], $0x80, s3, s16, $0xb8;
	[tilespmem:$0x1E800] =	vst v63  }
0x20: {  	s25 =	simm.s32 $0x80  }
0x21: {  	[tilespmem:s18], [sflag:$0x2] =	stream.indirect.gather [hbm4b:s4+s16], $0x80, s25, s16, $0xb8;
	[tilespmem:$0x1E800] =	vst v63  }
0x22: {  	_ =	swait.ge [sflag:s19], $0x4000  }
0x23: {  	[sflag:s19] =	ssyncset.done $0x0  }
0x24: {  	s29 =	simm.s32 $0x1400;
	[sflag:s19] =	ssyncadd.s32 $0xFFFFC000  }
0x25: {  	[spmem:s2] =	stream.indirect.scatter.add.f32 [tilespmem:s17], [sflag:$0x3], $0x80, s29, s16, $0xb8;
	[tilespmem:$0x1E800] =	vst v63  }
0x26: {  	_ =	swait.ge [sflag:s14], $0x4000  }
0x27: {  	[sflag:s14] =	ssyncset.done $0x0  }
0x28: {  	s30 =	simm.s32 $0x100;
	[sflag:s14] =	ssyncadd.s32 $0xFFFFC000  }
0x29: {  	[tilespmem:s17], [sflag:$0x1] =	stream.indirect.gather [hbm4b:s4+s16], $0x80, s30, s16, $0xb8;
	[tilespmem:$0x1E800] =	vst v63  }
0x2a: {  	_ =	swait.ge [sflag:s20], $0x4000  }
0x2b: {  	[sflag:s20] =	ssyncset.done $0x0  }
0x2c: {  	s31 =	simm.s32 $0x1480;
	[sflag:s20] =	ssyncadd.s32 $0xFFFFC000  }
0x2d: {  	[spmem:s2] =	stream.indirect.scatter.add.f32 [tilespmem:s18], [sflag:$0x3], $0x80, s31, s16, $0xb8;
	[tilespmem:$0x1E800] =	vst v63  }
0x2e: {  	_ =	swait.ge [sflag:s14], $0x4000  }
0x2f: {  	s26 =	simm.s32 $0x800;
	s25 =	simm.s32 $0x100;
	[sflag:s14] =	ssyncset.done $0x0  }
.LBB2_2:
0x30: {  	s28 =	sadd.s32 $0x80, s25  }
0x31: {  	[sflag:s14] =	ssyncadd.s32 $0xFFFFC000;
	s29 =	smov.u32 s26;
	s30 =	sadd.s32 $0x400, s26  }
0x32: {  	[tilespmem:s18], [sflag:$0x2] =	stream.indirect.gather [hbm4b:s4+s16], $0x80, s28, s16, $0xb8;
	[tilespmem:$0x1E800] =	vst v63  }
0x33: {  	p0 =	sne.s32 s26, $0x4800;
	_ =	swait.ge [sflag:s19], $0x4000  }
0x34: {  	[sflag:s19] =	ssyncset.done $0x0  }
0x35: {  	s26 =	sadd.s32 $0x1400, s25;
	[sflag:s19] =	ssyncadd.s32 $0xFFFFC000  }
0x36: {  	[spmem:s2] =	stream.indirect.scatter.add.f32 [tilespmem:s17], [sflag:$0x3], $0x80, s26, s16, $0xb8;
	[tilespmem:$0x1E800] =	vst v63  }
0x37: {  	_ =	swait.ge [sflag:s14], $0x4000  }
0x38: {  	[sflag:s14] =	ssyncset.done $0x0  }
0x39: {  	s26 =	sadd.s32 $0x100, s25;
	[sflag:s14] =	ssyncadd.s32 $0xFFFFC000  }
0x3a: {  	[tilespmem:s17], [sflag:$0x1] =	stream.indirect.gather [hbm4b:s4+s16], $0x80, s26, s16, $0xb8;
	[tilespmem:$0x1E800] =	vst v63  }
0x3b: {  	_ =	swait.ge [sflag:s20], $0x4000  }
.Ltmp0:
0x3c: {  	[sflag:s20] =	ssyncset.done $0x0;
	(pc) =	sbr.rel @p0 .LBB2_2-.Ltmp0, $4  }
0x3d: {  	s25 =	sadd.s32 $0x1480, s25;
	[sflag:s20] =	ssyncadd.s32 $0xFFFFC000  }
0x3e: {  	[spmem:s2] =	stream.indirect.scatter.add.f32 [tilespmem:s18], [sflag:$0x3], $0x80, s25, s16, $0xb8;
	[tilespmem:$0x1E800] =	vst v63  }
0x3f: {  	_ =	swait.ge [sflag:s14], $0x4000  }
0x40: {  	s26 =	smov.u32 s30;
	s25 =	sshra.s32 s29, $0x2;
	[sflag:s14] =	ssyncset.done $0x0  }
0x41: {  	s26 =	sadd.s32 $0x80, s25;
	[sflag:s14] =	ssyncadd.s32 $0xFFFFC000  }
0x42: {  	[tilespmem:s18], [sflag:$0x2] =	stream.indirect.gather [hbm4b:s4+s16], $0x80, s26, s16, $0xb8;
	[tilespmem:$0x1E800] =	vst v63  }
0x43: {  	_ =	swait.ge [sflag:s19], $0x4000  }
0x44: {  	[sflag:s19] =	ssyncset.done $0x0  }
0x45: {  	s29 =	sadd.s32 $0x1400, s25;
	[sflag:s19] =	ssyncadd.s32 $0xFFFFC000  }
0x46: {  	[spmem:s2] =	stream.indirect.scatter.add.f32 [tilespmem:s17], [sflag:$0x3], $0x80, s29, s16, $0xb8;
	[tilespmem:$0x1E800] =	vst v63  }
0x47: {  	_ =	swait.ge [sflag:s14], $0x4000  }
0x48: {  	[sflag:s14] =	ssyncset.done $0x0  }
0x49: {  	s30 =	sadd.s32 $0x100, s25;
	[sflag:s14] =	ssyncadd.s32 $0xFFFFC000  }
0x4a: {  	[tilespmem:s17], [sflag:$0x1] =	stream.indirect.gather [hbm4b:s4+s16], $0x80, s30, s16, $0xb8;
	[tilespmem:$0x1E800] =	vst v63  }
0x4b: {  	_ =	swait.ge [sflag:s20], $0x4000  }
0x4c: {  	[sflag:s20] =	ssyncset.done $0x0  }
0x4d: {  	s31 =	sadd.s32 $0x1480, s25;
	[sflag:s20] =	ssyncadd.s32 $0xFFFFC000  }
0x4e: {  	[spmem:s2] =	stream.indirect.scatter.add.f32 [tilespmem:s18], [sflag:$0x3], $0x80, s31, s16, $0xb8;
	[tilespmem:$0x1E800] =	vst v63  }
0x4f: {  	_ =	swait.ge [sflag:s14], $0x4000  }
0x50: {  	[sflag:s14] =	ssyncset.done $0x0  }
0x51: {  	[sflag:s14] =	ssyncadd.s32 $0xFFFFC000  }
0x52: {  	[tilespmem:s18], [sflag:$0x2] =	stream.indirect.gather [hbm4b:s4+s16], $0x80, s21, s16, $0xb8;
	[tilespmem:$0x1E800] =	vst v63  }
0x53: {  	_ =	swait.ge [sflag:s19], $0x4000  }
0x54: {  	[sflag:s19] =	ssyncset.done $0x0  }
0x55: {  	[sflag:s19] =	ssyncadd.s32 $0xFFFFC000  }
0x56: {  	[spmem:s2] =	stream.indirect.scatter.add.f32 [tilespmem:s17], [sflag:$0x3], $0x80, s22, s16, $0xb8;
	[tilespmem:$0x1E800] =	vst v63  }
0x57: {  	_ =	swait.ge [sflag:s14], $0x4000  }
0x58: {  	[sflag:s14] =	ssyncset.done $0x0  }
0x59: {  	[sflag:s14] =	ssyncadd.s32 $0xFFFFC000  }
0x5a: {  	_ =	swait.ge [sflag:s20], $0x4000  }
0x5b: {  	[sflag:s20] =	ssyncset.done $0x0  }
0x5c: {  	[sflag:s20] =	ssyncadd.s32 $0xFFFFC000  }
0x5d: {  	[spmem:s2] =	stream.indirect.scatter.add.f32 [tilespmem:s18], [sflag:$0x3], $0x80, s23, s16, $0xb8;
	[tilespmem:$0x1E800] =	vst v63  }
0x5e: {  	_ =	swait.ge [sflag:s14], $0x4000  }
0x5f: {  	[sflag:s14] =	ssyncset.done $0x0  }
0x60: {  	s26 =	simm.s32 $0x0;
	[sflag:s14] =	ssyncadd.s32 $0xFFFFC000  }
0x61: {  	[tilespmem:s26], [sflag:$0x3] =	stream.linear.gather [hbm4b:s9+s26], $0x1400, $0x38;
	[tilespmem:$0x1E800] =	vst v63  }
0x62: {  	_ =	swait.ge [sflag:s14], $0x1400  }
0x63: {  	[sflag:s14] =	ssyncset.done $0x0  }
0x64: {  	[sflag:s14] =	ssyncadd.s32 $0xFFFFEC00  }
0x65: {  	[tilespmem:s15], [sflag:$0x3] =	stream.linear.gather [hbm4b:s10+s26], $0x1400, $0x38;
	[tilespmem:$0x1E800] =	vst v63  }
0x66: {  	_ =	swait.ge [sflag:s14], $0x1400  }
0x67: {  	[sflag:s14] =	ssyncset.done $0x0  }
0x68: {  	[sflag:s14] =	ssyncadd.s32 $0xFFFFEC00  }
0x69: {  	[tilespmem:s17], [sflag:$0x1] =	stream.indirect.gather [hbm4b:s4+s16], $0x80, s26, s16, $0xb8;
	[tilespmem:$0x1E800] =	vst v63  }
0x6a: {  	s28 =	simm.s32 $0x80  }
0x6b: {  	[tilespmem:s18], [sflag:$0x2] =	stream.indirect.gather [hbm4b:s4+s16], $0x80, s28, s16, $0xb8;
	[tilespmem:$0x1E800] =	vst v63  }
0x6c: {  	_ =	swait.ge [sflag:s19], $0x4000  }
0x6d: {  	[sflag:s19] =	ssyncset.done $0x0  }
0x6e: {  	s29 =	simm.s32 $0x1400;
	[sflag:s19] =	ssyncadd.s32 $0xFFFFC000  }
0x6f: {  	[spmem:s2] =	stream.indirect.scatter.add.f32 [tilespmem:s17], [sflag:$0x3], $0x80, s29, s16, $0xb8;
	[tilespmem:$0x1E800] =	vst v63  }
0x70: {  	_ =	swait.ge [sflag:s14], $0x4000  }
0x71: {  	[sflag:s14] =	ssyncset.done $0x0  }
0x72: {  	s30 =	simm.s32 $0x100;
	[sflag:s14] =	ssyncadd.s32 $0xFFFFC000  }
0x73: {  	[tilespmem:s17], [sflag:$0x1] =	stream.indirect.gather [hbm4b:s4+s16], $0x80, s30, s16, $0xb8;
	[tilespmem:$0x1E800] =	vst v63  }
0x74: {  	_ =	swait.ge [sflag:s20], $0x4000  }
0x75: {  	[sflag:s20] =	ssyncset.done $0x0  }
0x76: {  	s31 =	simm.s32 $0x1480;
	[sflag:s20] =	ssyncadd.s32 $0xFFFFC000  }
0x77: {  	[spmem:s2] =	stream.indirect.scatter.add.f32 [tilespmem:s18], [sflag:$0x3], $0x80, s31, s16, $0xb8;
	[tilespmem:$0x1E800] =	vst v63  }
0x78: {  	_ =	swait.ge [sflag:s14], $0x4000  }
0x79: {  	s25 =	simm.s32 $0x100;
	s26 =	simm.s32 $0x800;
	[sflag:s14] =	ssyncset.done $0x0  }
.LBB2_4:
0x7a: {  	s28 =	sadd.s32 $0x80, s25  }
0x7b: {  	[sflag:s14] =	ssyncadd.s32 $0xFFFFC000;
	s29 =	smov.u32 s26;
	s30 =	sadd.s32 $0x400, s26  }
0x7c: {  	[tilespmem:s18], [sflag:$0x2] =	stream.indirect.gather [hbm4b:s4+s16], $0x80, s28, s16, $0xb8;
	[tilespmem:$0x1E800] =	vst v63  }
0x7d: {  	p0 =	sne.s32 s26, $0x4800;
	_ =	swait.ge [sflag:s19], $0x4000  }
0x7e: {  	[sflag:s19] =	ssyncset.done $0x0  }
0x7f: {  	s26 =	sadd.s32 $0x1400, s25;
	[sflag:s19] =	ssyncadd.s32 $0xFFFFC000  }
0x80: {  	[spmem:s2] =	stream.indirect.scatter.add.f32 [tilespmem:s17], [sflag:$0x3], $0x80, s26, s16, $0xb8;
	[tilespmem:$0x1E800] =	vst v63  }
0x81: {  	_ =	swait.ge [sflag:s14], $0x4000  }
0x82: {  	[sflag:s14] =	ssyncset.done $0x0  }
0x83: {  	s26 =	sadd.s32 $0x100, s25;
	[sflag:s14] =	ssyncadd.s32 $0xFFFFC000  }
0x84: {  	[tilespmem:s17], [sflag:$0x1] =	stream.indirect.gather [hbm4b:s4+s16], $0x80, s26, s16, $0xb8;
	[tilespmem:$0x1E800] =	vst v63  }
0x85: {  	_ =	swait.ge [sflag:s20], $0x4000  }
.Ltmp1:
0x86: {  	[sflag:s20] =	ssyncset.done $0x0;
	(pc) =	sbr.rel @p0 .LBB2_4-.Ltmp1, $4  }
0x87: {  	s25 =	sadd.s32 $0x1480, s25;
	[sflag:s20] =	ssyncadd.s32 $0xFFFFC000  }
0x88: {  	[spmem:s2] =	stream.indirect.scatter.add.f32 [tilespmem:s18], [sflag:$0x3], $0x80, s25, s16, $0xb8;
	[tilespmem:$0x1E800] =	vst v63  }
0x89: {  	_ =	swait.ge [sflag:s14], $0x4000  }
0x8a: {  	s26 =	smov.u32 s30;
	s25 =	sshra.s32 s29, $0x2;
	[sflag:s14] =	ssyncset.done $0x0  }
0x8b: {  	s26 =	sadd.s32 $0x80, s25;
	[sflag:s14] =	ssyncadd.s32 $0xFFFFC000  }
0x8c: {  	[tilespmem:s18], [sflag:$0x2] =	stream.indirect.gather [hbm4b:s4+s16], $0x80, s26, s16, $0xb8;
	[tilespmem:$0x1E800] =	vst v63  }
0x8d: {  	_ =	swait.ge [sflag:s19], $0x4000  }
0x8e: {  	[sflag:s19] =	ssyncset.done $0x0  }
0x8f: {  	s29 =	sadd.s32 $0x1400, s25;
	[sflag:s19] =	ssyncadd.s32 $0xFFFFC000  }
0x90: {  	[spmem:s2] =	stream.indirect.scatter.add.f32 [tilespmem:s17], [sflag:$0x3], $0x80, s29, s16, $0xb8;
	[tilespmem:$0x1E800] =	vst v63  }
0x91: {  	_ =	swait.ge [sflag:s14], $0x4000  }
0x92: {  	[sflag:s14] =	ssyncset.done $0x0  }
0x93: {  	s30 =	sadd.s32 $0x100, s25;
	[sflag:s14] =	ssyncadd.s32 $0xFFFFC000  }
0x94: {  	[tilespmem:s17], [sflag:$0x1] =	stream.indirect.gather [hbm4b:s4+s16], $0x80, s30, s16, $0xb8;
	[tilespmem:$0x1E800] =	vst v63  }
0x95: {  	_ =	swait.ge [sflag:s20], $0x4000  }
0x96: {  	[sflag:s20] =	ssyncset.done $0x0  }
0x97: {  	s31 =	sadd.s32 $0x1480, s25;
	[sflag:s20] =	ssyncadd.s32 $0xFFFFC000  }
0x98: {  	[spmem:s2] =	stream.indirect.scatter.add.f32 [tilespmem:s18], [sflag:$0x3], $0x80, s31, s16, $0xb8;
	[tilespmem:$0x1E800] =	vst v63  }
0x99: {  	_ =	swait.ge [sflag:s14], $0x4000  }
0x9a: {  	[sflag:s14] =	ssyncset.done $0x0  }
0x9b: {  	[sflag:s14] =	ssyncadd.s32 $0xFFFFC000  }
0x9c: {  	[tilespmem:s18], [sflag:$0x2] =	stream.indirect.gather [hbm4b:s4+s16], $0x80, s21, s16, $0xb8;
	[tilespmem:$0x1E800] =	vst v63  }
0x9d: {  	_ =	swait.ge [sflag:s19], $0x4000  }
0x9e: {  	[sflag:s19] =	ssyncset.done $0x0  }
0x9f: {  	[sflag:s19] =	ssyncadd.s32 $0xFFFFC000  }
0xa0: {  	[spmem:s2] =	stream.indirect.scatter.add.f32 [tilespmem:s17], [sflag:$0x3], $0x80, s22, s16, $0xb8;
	[tilespmem:$0x1E800] =	vst v63  }
0xa1: {  	_ =	swait.ge [sflag:s14], $0x4000  }
0xa2: {  	[sflag:s14] =	ssyncset.done $0x0  }
0xa3: {  	[sflag:s14] =	ssyncadd.s32 $0xFFFFC000  }
0xa4: {  	_ =	swait.ge [sflag:s20], $0x4000  }
0xa5: {  	[sflag:s20] =	ssyncset.done $0x0  }
0xa6: {  	[sflag:s20] =	ssyncadd.s32 $0xFFFFC000  }
0xa7: {  	[spmem:s2] =	stream.indirect.scatter.add.f32 [tilespmem:s18], [sflag:$0x3], $0x80, s23, s16, $0xb8;
	[tilespmem:$0x1E800] =	vst v63  }
0xa8: {  	_ =	swait.ge [sflag:s14], $0x4000  }
0xa9: {  	s24 =	sadd.s32 $0x1, s24;
	[sflag:s14] =	ssyncset.done $0x0  }
0xaa: {  	p0 =	sne.s32 s24, s12;
	[sflag:s14] =	ssyncadd.s32 $0xFFFFC000  }
.Ltmp2:
0xab: {  	[bflag:$0x0] =	sbarrier.arrive $0xFFFF;
	(pc) =	sbr.rel @p0 .LBB2_1-.Ltmp2, $4  }
0xac: {  	[hbm:s11], [sflag:s6] =	dma.local [spmem:s13], $0x2800  }
0xad: {  	_ =	swait.ge [sflag:s14], $0x2800  }
0xae: {  	[sflag:s14] =	ssyncset.done $0x0  }
0xaf: {  	[sflag:s14] =	ssyncadd.s32 $0xFFFFD800  }
0xb0: {  	_ =	sfence.sel $0x180000  }
0xb1: {  	[bflag:$0x0] =	sbarrier.arrive $0xFFFF  }
0xb2: {  	p0 =	sne.s32 s0, $0x0;
	_ =	strace $0x9000004D  }
0xb3: {  	s0 =	sadd.s32 @!p0 $0x100000, s1;
	[bflag:$0x2] =	sbarrier.arrive $0xFFFF  }
0xb4: {  	[sflag:s0] =	ssyncadd.tile.s32 @!p0 $0x1;
	_ =	shalt  }
.Lfunc_end2:
_tile_overlayer_lowered:
.L_overlay_start_2:
0xb5: {  	(tag) =	ssettag $0x2  }
0xb6: {  	s0 =	rddreg [dreg:$0x0];
	s2 =	stileid.u32  }
0xb7: {  	s1 =	rddreg [dreg:$0x1];
	p0 =	sne.s32 s2, $0x0  }
0xb8: {  	s3 =	rddreg [dreg:$0x2];
	[bflag:$0x3] =	sbarrier.arrive $0xFFFF;
	s2 =	simm.s32 @!p0 $0x1C03  }
0xb9: {  	[timem:s3], [sflag:s2] =	dma.local @!p0 [hbm:s0], s1  }
0xba: {  	s0 =	simm.s32 @!p0 $0x3  }
0xbb: {  	_ =	swait.ge @!p0 [sflag:s0], s1  }
0xbc: {  	s1 =	ssub.s32 @!p0 $0x0, s1;
	[sflag:s0] =	ssyncset.done @!p0 $0x0  }
0xbd: {  	[sflag:s0] =	ssyncadd.s32 @!p0 s1  }
0xbe: {  	[bflag:$0x3] =	sbarrier.arrive $0xFFFF  }
0xbf: {  	_ =	shalt  }

// kernel: kernel.9.cloned.1.call-start
scs
__scs_entry_jumppad:
0x0: {  	(pc) =	sbr.rel $0x88, $3  }
0x1: {  	(tag) =	ssettag $0x0;
	lr =	simm.s32 $0x1  }
0x2: {  	[smem:$0x3F95] =	sst lr;
	_ =	strace $0xD0000000  }
0x3: {  	_ = 	snop  }
0x4: {  	_ = 	snop  }
0x5: {  	_ = 	snop  }
0x6: {  	_ = 	snop  }
0x7: {  	_ = 	snop  }
__scs_overlays_trampoline_lowered:
0x8: {  	[smem:$0x3FA4] =	sst s0  }
0x9: {  	[smem:$0x3FA5] =	sst s1  }
0xa: {  	[smem:$0x3FA6] =	sst s2  }
0xb: {  	[smem:$0x3FA7] =	sst s3  }
0xc: {  	[smem:$0x3FA8] =	sst s4  }
0xd: {  	[smem:$0x3FA9] =	sst s5  }
0xe: {  	[smem:$0x3FAA] =	sst s6  }
0xf: {  	[smem:$0x3FAB] =	sst s7  }
0x10: {  	[smem:$0x3FAC] =	sst s8  }
0x11: {  	[smem:$0x3FAD] =	sst s9;
	s0 =	simm.s32 @!p0 $0x0  }
0x12: {  	s1 =	sld [smem:$0x3F93];
	s0 =	simm.s32 @p0 $0x1  }
0x13: {  	[smem:$0x3FAE] =	sst s0;
	s0 =	simm.s32 @!p1 $0x0  }
0x14: {  	s2 =	sld [smem:$0x3F92];
	s0 =	simm.s32 @p1 $0x1  }
0x15: {  	[smem:$0x3FAF] =	sst s0;
	s0 =	simm.s32 @!p2 $0x0  }
0x16: {  	s3 =	sld [smem:$0x3FDB];
	s0 =	simm.s32 @p2 $0x1  }
0x17: {  	s4 =	simm.s32 $0x1BF5;
	[smem:$0x3FB1] =	sst s0  }
0x18: {  	s0 =	sld [smem:$0x3F94];
	_ =	swait.ge [sflag:s4], $0x0  }
0x19: {  	s7 =	sld [smem:$0x3F95]  }
0x1a: {  	s8 =	sadd.s32 $0xFFFFE003, lr  }
0x1b: {  	s9 =	sadd.s32 $0xFFFFFEF7, lr;
	s5 =	simm.s32 $0xFFFFFFFF;
	p2 =	slt.u32 s8, $0xFFFFF086  }
0x1c: {  	p1 =	slt.u32 s9, $0xF7A;
	s5 =	simm.s32 @!p2 $0x0  }
0x1d: {  	s5 =	simm.s32 @p1 $0x1;
	p0 =	seq.s32 s7, s2  }
0x1e: {  	s7 =	smul.u32 @!p0 $0xF7A, s2;
	p2 =	seq.s32 @!p0 s5, $0x0  }
0x1f: {  	s9 =	smul.u32 $0xF7A, s1;
	s8 =	simm.s32 @!p0 $0x1BF5;
	p2 =	por !p2, p0  }
0x20: {  	[sflag:s8] =	ssyncset.s32 @!p0 $0xFFFFF086;
	s6 =	sadd.s32 @!p0 s3, s7;
	s7 =	simm.s32 @!p0 $0x108  }
0x21: {  	s3 =	sadd.s32 s3, s9;
	s6 =	sadd.s32 @!p0 $0x88, s6;
	s7 =	simm.s32 @p2 $0x1082  }
0x22: {  	[simem:s7], [sflag:s8] =	dma.local @!p0 [hbm:s6], $0xF7A  }
0x23: {  	s9 =	sor.u32 $0xD0000000, s2;
	s6 =	simm.s32 $0x108;
	_ =	swait.ge @!p0 [sflag:s8], $0x0  }
0x24: {  	s3 =	sadd.s32 $0x88, s3;
	s6 =	simm.s32 @!p1 $0x1082;
	[sflag:s4] =	ssyncset.s32 $0xFFFFF086  }
0x25: {  	[simem:s6], [sflag:s4] =	dma.local [hbm:s3], $0xF7A  }
0x26: {  	[smem:$0x3F95] =	sst s1;
	(tag) =	ssettag s2;
	_ =	strace s9  }
0x27: {  	s1 =	sld [smem:$0x3FA5]  }
0x28: {  	s2 =	sld [smem:$0x3FA6]  }
0x29: {  	s4 =	sld [smem:$0x3FA8]  }
0x2a: {  	p0 =	seq.s32 s5, $0x0;
	s5 =	sld [smem:$0x3FA9]  }
0x2b: {  	s6 =	sld [smem:$0x3FAA]  }
0x2c: {  	s7 =	sld [smem:$0x3FAB]  }
0x2d: {  	s3 =	simm.s32 $0x108;
	s8 =	sld [smem:$0x3FAC]  }
0x2e: {  	s3 =	simm.s32 @!p0 $0x1082;
	s9 =	sld [smem:$0x3FAD]  }
0x2f: {  	lr =	sadd.s32 s0, s3;
	s0 =	sld [smem:$0x3FA4]  }
0x30: {  	s3 =	sld [smem:$0x3FA7]  }
0x31: {  	[smem:$0x3FB0] =	sst s10  }
0x32: {  	s10 =	sld [smem:$0x3FAE];
	_ =	sdelay $0x3  }
0x33: {  	p0 =	seq.s32 s10, $0x1;
	s10 =	sld [smem:$0x3FB0];
	_ =	sdelay $0x3  }
0x34: {  	[smem:$0x3FB0] =	sst s10  }
0x35: {  	s10 =	sld [smem:$0x3FAF];
	_ =	sdelay $0x3  }
0x36: {  	p1 =	seq.s32 s10, $0x1;
	s10 =	sld [smem:$0x3FB0];
	_ =	sdelay $0x3  }
0x37: {  	[smem:$0x3FB0] =	sst s10  }
0x38: {  	s10 =	sld [smem:$0x3FB1]  }
0x39: {  	_ = 	snop;
	(pc) =	sbr.ind lr, $3  }
0x3a: {  	_ = 	snop  }
0x3b: {  	_ = 	snop  }
0x3c: {  	p2 =	seq.s32 s10, $0x1;
	s10 =	sld [smem:$0x3FB0]  }
0x3d: {  	_ =	shalt  }
0x3e: {  	_ =	shalt  }
0x3f: {  	_ =	shalt  }
0x40: {  	_ =	shalt  }
0x41: {  	_ =	shalt  }
0x42: {  	_ =	shalt  }
0x43: {  	_ =	shalt  }
0x44: {  	_ =	shalt  }
0x45: {  	_ =	shalt  }
0x46: {  	_ =	shalt  }
0x47: {  	_ =	shalt  }
0x48: {  	_ =	shalt  }
0x49: {  	_ =	shalt  }
0x4a: {  	_ =	shalt  }
0x4b: {  	_ =	shalt  }
0x4c: {  	_ =	shalt  }
0x4d: {  	_ =	shalt  }
0x4e: {  	_ =	shalt  }
0x4f: {  	_ =	shalt  }
0x50: {  	_ =	shalt  }
0x51: {  	_ =	shalt  }
0x52: {  	_ =	shalt  }
0x53: {  	_ =	shalt  }
0x54: {  	_ =	shalt  }
0x55: {  	_ =	shalt  }
0x56: {  	_ =	shalt  }
0x57: {  	_ =	shalt  }
0x58: {  	_ =	shalt  }
0x59: {  	_ =	shalt  }
0x5a: {  	_ =	shalt  }
0x5b: {  	_ =	shalt  }
0x5c: {  	_ =	shalt  }
0x5d: {  	_ =	shalt  }
0x5e: {  	_ =	shalt  }
0x5f: {  	_ =	shalt  }
0x60: {  	_ =	shalt  }
0x61: {  	_ =	shalt  }
0x62: {  	_ =	shalt  }
0x63: {  	_ =	shalt  }
0x64: {  	_ =	shalt  }
0x65: {  	_ =	shalt  }
0x66: {  	_ =	shalt  }
0x67: {  	_ =	shalt  }
0x68: {  	_ =	shalt  }
0x69: {  	_ =	shalt  }
0x6a: {  	_ =	shalt  }
0x6b: {  	_ =	shalt  }
0x6c: {  	_ =	shalt  }
0x6d: {  	_ =	shalt  }
0x6e: {  	_ =	shalt  }
0x6f: {  	_ =	shalt  }
0x70: {  	_ =	shalt  }
0x71: {  	_ =	shalt  }
0x72: {  	_ =	shalt  }
0x73: {  	_ =	shalt  }
0x74: {  	_ =	shalt  }
0x75: {  	_ =	shalt  }
0x76: {  	_ =	shalt  }
0x77: {  	_ =	shalt  }
0x78: {  	_ =	shalt  }
0x79: {  	_ =	shalt  }
0x7a: {  	_ =	shalt  }
0x7b: {  	_ =	shalt  }
0x7c: {  	_ =	shalt  }
0x7d: {  	_ =	shalt  }
0x7e: {  	_ =	shalt  }
0x7f: {  	_ =	shalt  }
0x80: {  	_ =	shalt  }
0x81: {  	_ =	shalt  }
0x82: {  	_ =	shalt  }
0x83: {  	_ =	shalt  }
0x84: {  	_ =	shalt  }
0x85: {  	_ =	shalt  }
0x86: {  	_ =	shalt  }
0x87: {  	_ =	shalt  }
.Lfunc_end0:
.L_simem_size_0:
called_computation_lowered:
.L_overlay_start_0:
0x88: {  	s2 =	sld [smem:$0x3FD9]  }
0x89: {  	s3 =	sld [smem:$0x3FFE];
	_ =	sdelay $0x1  }
0x8a: {  	s1 =	srdreg.scid  }
0x8b: {  	s0 =	sand.u32 $0x1, s1  }
0x8c: {  	s16 =	sshll.u32 s0, $0xA;
	s2 =	sadd.s32 s3, s2  }
0x8d: {  	s2 =	sadd.s32 s2, s16  }
0x8e: {  	[smem:$0x3FBC] =	sst s2  }
0x8f: {  	_ = 	snop  }
0x90: {  	(tm) =	ssettm $0x1  }
0x91: {  	s17 =	sld [smem:$0x3FFB];
	_ =	sdelay $0x3  }
0x92: {  	_ =	strace s17  }
0x93: {  	s2 =	sld [smem:$0x3FFC];
	_ =	sdelay $0x3  }
0x94: {  	_ =	strace s2  }
0x95: {  	s2 =	sld [smem:$0x3FFD];
	_ =	sdelay $0x3  }
0x96: {  	_ =	strace s2  }
0x97: {  	_ =	strace $0x8FFFFFFF  }
0x98: {  	s18 =	sld [smem:$0x3FDB];
	_ =	sdelay $0x1  }
0x99: {  	s19 =	simm.s32 $_scs_section_size  }
0x9a: {  	s4 =	simm.s32 $_size__tile_overlayer_lowered;
	s5 =	simm.s32 $_tile_overlayer_lowered  }
0x9b: {  	s22 =	simm.s32 $0x1BFF;
	s21 =	sshll.u32 s5, $0x1;
	s2 =	sadd.s32 s19, s18  }
0x9c: {  	s6 =	simm.s32 $0x0;
	s20 =	sshll.u32 s4, $0x1;
	s4 =	sadd.s32 s21, s2  }
0x9d: {  	[timem:s6], [sflag:s22] =	dma.local [hbm:s4], s20  }
0x9e: {  	_ =	swait.ge [sflag:s22], s20  }
0x9f: {  	s3 =	ssub.s32 $0x0, s20;
	[sflag:s22] =	ssyncset.done $0x0  }
0xa0: {  	[sflag:s22] =	ssyncadd.s32 s3;
	_ =	sdelay $0x1  }
0xa1: {  	s23 =	simm.s32 $0x1B8B  }
0xa2: {  	_ =	swait.ge [sflag:s23], $0x1  }
0xa3: {  	[sflag:s23] =	ssyncset.done $0x0  }
0xa4: {  	s25 =	simm.s32 $0x1B8E;
	s24 =	sld [smem:$0x3FFE];
	[sflag:s23] =	ssyncadd.s32 $0xFFFFFFFF  }
0xa5: {  	s26 =	simm.s32 $execute0_lowered;
	[smem:$0x3FD2] =	sst s25  }
0xa6: {  	s4 =	sshll.u32 s26, $0x1;
	_ =	strace $0x80000046;
	[dreg:$0x1] =	wrdreg $0xFFFFFFFF  }
0xa7: {  	s28 =	simm.s32 $_size_execute0_lowered;
	s2 =	sadd.s32 s2, s4;
	[dreg:$0x0] =	wrdreg $0x0  }
0xa8: {  	s4 =	sshll.u32 s28, $0x1;
	[dreg:$0x2] =	wrdreg s2  }
0xa9: {  	[dreg:$0x3] =	wrdreg s4  }
0xaa: {  	[dreg:$0x4] =	wrdreg $0xC0  }
0xab: {  	_ =	task [dreg:s6], $0x5FFFF  }
0xac: {  	[dreg:$0x1] =	wrdreg $0xFFFFFFFF  }
0xad: {  	[dreg:$0x0] =	wrdreg $0x60  }
0xae: {  	[dreg:$0x2] =	wrdreg s24  }
0xaf: {  	[dreg:$0x3] =	wrdreg $0x68000  }
0xb0: {  	[dreg:$0x4] =	wrdreg $0x9  }
0xb1: {  	_ =	task.clear_ibuf [dreg:s6], $0x5FFFF;
	_ =	strace $0x90000046  }
0xb2: {  	s29 =	simm.s32 $0x9;
	_ =	strace $0x80000048  }
0xb3: {  	_ =	swait.ge [sflag:s29], $0x1  }
0xb4: {  	[sflag:s29] =	ssyncadd.s32 $0xFFFFFFFF  }
0xb5: {  	_ =	strace $0x90000048  }
0xb6: {  	_ =	sfence  }
0xb7: {  	s30 =	sld [smem:$0x0];
	_ =	sdelay $0x2  }
0xb8: {  	s31 =	sshll.u32 s1, $0xD;
	s1 =	sshrl.u32 s1, $0x2  }
0xb9: {  	s3 =	sand.u32 $0x4000, s31;
	s1 =	sadd.s32 s1, s30  }
0xba: {  	s0 =	sor.u32 s3, s0;
	s1 =	sshll.u32 s1, $0x11  }
0xbb: {  	s0 =	sor.u32 s1, s0  }
0xbc: {  	s0 =	sadd.s32 $0x8F2B, s0  }
0xbd: {  	[sflag:s0] =	ssyncadd.remote.s32 $0x1  }
0xbe: {  	_ =	sfence.sel $0xFFFF  }
0xbf: {  	[dreg:$0x0] =	wrdreg $0xFFFFFFFF;
	(pc) =	sbr.abs _section_cstart, $3  }
0xc0: {  	[dreg:$0x1] =	wrdreg $0xFFFFFFFF  }
0xc1: {  	_ =	task.clear_ibuf [dreg:s6], $0x2FFFF;
	_ =	strace $0x9FFFFFFF  }
0xc2: {  	(tm) =	ssettm $0x7FFFFFFF  }
0xc3: {  	_ =	shalt  }
tec
execute0_lowered:
.L_overlay_start_1:
0x0: {  	(tag) =	ssettag $0x1  }
0x1: {  	s5 =	rddreg [dreg:$0x0]  }
0x2: {  	s2 =	rddreg [dreg:$0x1];
	s1 =	srdreg.scid  }
0x3: {  	s0 =	rddreg [dreg:$0x2];
	s3 =	simm.s32 $0x0;
	s13 =	simm.s32 $0x2800  }
0x4: {  	s14 =	simm.s32 $0x3;
	s15 =	simm.s32 $0x80;
	s16 =	simm.s32 $0x1  }
0x5: {  	s17 =	simm.s32 $0x2;
	s6 =	sand.u32 $0x1, s1;
	s1 =	stileid.u32  }
0x6: {  	s20 =	simm.s32 $0x0;
	[smem:$0x7FF] =	sst s3;
	s4 =	smul.u32 $0x140000, s6  }
0x7: {  	s7 =	smul.u32 $0x14000, s1;
	s8 =	sshll.u32 s6, $0x4;
	_ =	strace $0x80000047  }
0x8: {  	s9 =	smul.u32 $0x50000, s1;
	s6 =	ssub.s32 $0x2, s6;
	s8 =	sor.u32 s1, s8  }
0x9: {  	s18 =	sshll.u32 s1, $0x6;
	s10 =	sshrl.u32 s6, $0x1;
	s8 =	smul.u32 $0x2800, s8  }
0xa: {  	s18 =	sor.u32 $0x1C03, s18;
	s7 =	sadd.s32 s7, s4;
	s4 =	sadd.s32 $0x17400, s5  }
0xb: {  	s9 =	sshrl.u32 s9, $0x2;
	s7 =	sshrl.u32 s7, $0x3;
	s8 =	sshrl.u32 s8, $0x3  }
0xc: {  	s10 =	ssub.s32 s6, s10;
	s7 =	sadd.s32 s7, s5;
	s8 =	sadd.s32 s5, s8  }
0xd: {  	s5 =	sadd.s32 s9, s2;
	s7 =	sadd.s32 $0x17C00, s7;
	s6 =	sadd.s32 $0xD400, s8  }
0xe: {  	s8 =	smax.u32 s10, $0x1;
	s9 =	sadd.s32 $0x4000, s5;
	s10 =	sadd.s32 $0x8000, s5  }
0xf: {  	s11 =	sadd.s32 $0xC000, s5;
	s12 =	sadd.s32 $0x10000, s5;
	s19 =	sshrl.u32 s5, $0x3  }
.LBB2_1:
0x10: {  	[tilespmem:s13], [sflag:$0x3] =	stream.linear.gather [hbm4b:s4+s3], $0x4000, $0x38;
	[tilespmem:$0x1A800] =	vst v63  }
0x11: {  	_ =	swait.ge [sflag:s14], $0x4000  }
0x12: {  	[sflag:s14] =	ssyncset.done $0x0  }
0x13: {  	[sflag:s14] =	ssyncadd.s32 $0xFFFFC000  }
0x14: {  	[spmem:s5] =	stream.linear.scatter [tilespmem:s13], [sflag:$0x3], $0x4000, $0x38;
	[tilespmem:$0x1A800] =	vst v63  }
0x15: {  	_ =	swait.ge [sflag:s14], $0x4000  }
0x16: {  	[sflag:s14] =	ssyncset.done $0x0  }
0x17: {  	[sflag:s14] =	ssyncadd.s32 $0xFFFFC000  }
0x18: {  	[spmem:s9] =	stream.linear.scatter [tilespmem:s13], [sflag:$0x3], $0x4000, $0x38;
	[tilespmem:$0x1A800] =	vst v63  }
0x19: {  	_ =	swait.ge [sflag:s14], $0x4000  }
0x1a: {  	[sflag:s14] =	ssyncset.done $0x0  }
0x1b: {  	[sflag:s14] =	ssyncadd.s32 $0xFFFFC000  }
0x1c: {  	[spmem:s10] =	stream.linear.scatter [tilespmem:s13], [sflag:$0x3], $0x4000, $0x38;
	[tilespmem:$0x1A800] =	vst v63  }
0x1d: {  	_ =	swait.ge [sflag:s14], $0x4000  }
0x1e: {  	[sflag:s14] =	ssyncset.done $0x0  }
0x1f: {  	[sflag:s14] =	ssyncadd.s32 $0xFFFFC000  }
0x20: {  	[spmem:s11] =	stream.linear.scatter [tilespmem:s13], [sflag:$0x3], $0x4000, $0x38;
	[tilespmem:$0x1A800] =	vst v63  }
0x21: {  	_ =	swait.ge [sflag:s14], $0x4000  }
0x22: {  	[sflag:s14] =	ssyncset.done $0x0  }
0x23: {  	[sflag:s14] =	ssyncadd.s32 $0xFFFFC000  }
0x24: {  	[spmem:s12] =	stream.linear.scatter [tilespmem:s13], [sflag:$0x3], $0x4000, $0x38;
	[tilespmem:$0x1A800] =	vst v63  }
0x25: {  	_ =	swait.ge [sflag:s14], $0x4000  }
0x26: {  	[sflag:s14] =	ssyncset.done $0x0  }
0x27: {  	[sflag:s14] =	ssyncadd.s32 $0xFFFFC000  }
0x28: {  	[tilespmem:s3], [sflag:$0x3] =	stream.linear.gather [hbm4b:s6+s3], $0x2800, $0x38;
	[tilespmem:$0x1A800] =	vst v63  }
0x29: {  	_ =	swait.ge [sflag:s14], $0x2800  }
0x2a: {  	[sflag:s14] =	ssyncset.done $0x0  }
0x2b: {  	[sflag:s14] =	ssyncadd.s32 $0xFFFFD800  }
0x2c: {  	[bflag:$0x0] =	sbarrier.arrive $0xFFFF  }
0x2d: {  	[spmem:s2] =	stream.indirect.scatter.add.f32 [tilespmem:s13], [sflag:$0x1], $0x80, s3, s15, $0xb8;
	[tilespmem:$0x1A800] =	vst v63  }
0x2e: {  	_ = 	snop  }
0x2f: {  	[spmem:s2] =	stream.indirect.scatter.add.f32 [tilespmem:s13], [sflag:$0x2], $0x80, s15, s15, $0xb8;
	[tilespmem:$0x1A800] =	vst v63  }
0x30: {  	_ =	swait.ge [sflag:s16], $0x4000  }
0x31: {  	[sflag:s16] =	ssyncset.done $0x0  }
0x32: {  	s21 =	simm.s32 $0x100;
	[sflag:s16] =	ssyncadd.s32 $0xFFFFC000  }
0x33: {  	[spmem:s2] =	stream.indirect.scatter.add.f32 [tilespmem:s13], [sflag:$0x1], $0x80, s21, s15, $0xb8;
	[tilespmem:$0x1A800] =	vst v63  }
0x34: {  	_ =	swait.ge [sflag:s17], $0x4000  }
0x35: {  	[sflag:s17] =	ssyncset.done $0x0  }
0x36: {  	s22 =	simm.s32 $0x180;
	s21 =	simm.s32 $0xFFFF6800;
	[sflag:s17] =	ssyncadd.s32 $0xFFFFC000  }
.LBB2_2:
0x37: {  	[spmem:s2] =	stream.indirect.scatter.add.f32 [tilespmem:s13], [sflag:$0x2], $0x80, s22, s15, $0xb8;
	[tilespmem:$0x1A800] =	vst v63  }
0x38: {  	s22 =	smov.u32 s21  }
0x39: {  	p0 =	sne.s32 s21, $0xFFFFFC00;
	s21 =	sadd.s32 $0x400, s21;
	_ =	swait.ge [sflag:s16], $0x4000  }
0x3a: {  	s22 =	sshra.s32 s22, $0x2;
	[sflag:s16] =	ssyncset.done $0x0  }
.Ltmp0:
0x3b: {  	s23 =	sadd.s32 $0x2800, s22;
	[sflag:s16] =	ssyncadd.s32 $0xFFFFC000;
	(pc) =	sbr.rel @p0 .LBB2_2-.Ltmp0, $4  }
0x3c: {  	[spmem:s2] =	stream.indirect.scatter.add.f32 [tilespmem:s13], [sflag:$0x1], $0x80, s23, s15, $0xb8;
	[tilespmem:$0x1A800] =	vst v63  }
0x3d: {  	_ =	swait.ge [sflag:s17], $0x4000  }
0x3e: {  	[sflag:s17] =	ssyncset.done $0x0  }
0x3f: {  	s22 =	sadd.s32 $0x2880, s22;
	[sflag:s17] =	ssyncadd.s32 $0xFFFFC000  }
0x40: {  	[spmem:s2] =	stream.indirect.scatter.add.f32 [tilespmem:s13], [sflag:$0x2], $0x80, s22, s15, $0xb8;
	[tilespmem:$0x1A800] =	vst v63  }
0x41: {  	_ =	swait.ge [sflag:s16], $0x4000  }
0x42: {  	[sflag:s16] =	ssyncset.done $0x0  }
0x43: {  	[sflag:s16] =	ssyncadd.s32 $0xFFFFC000  }
0x44: {  	_ =	swait.ge [sflag:s17], $0x4000  }
0x45: {  	s20 =	sadd.s32 $0x1, s20;
	[sflag:s17] =	ssyncset.done $0x0  }
0x46: {  	p0 =	sne.s32 s20, s8;
	[sflag:s17] =	ssyncadd.s32 $0xFFFFC000  }
.Ltmp1:
0x47: {  	[bflag:$0x0] =	sbarrier.arrive $0xFFFF;
	(pc) =	sbr.rel @p0 .LBB2_1-.Ltmp1, $4  }
0x48: {  	[hbm:s7], [sflag:s18] =	dma.local [spmem:s19], $0x2800  }
0x49: {  	_ =	swait.ge [sflag:s14], $0x2800  }
0x4a: {  	[sflag:s14] =	ssyncset.done $0x0  }
0x4b: {  	[sflag:s14] =	ssyncadd.s32 $0xFFFFD800  }
0x4c: {  	_ =	sfence.sel $0x180000  }
0x4d: {  	[bflag:$0x0] =	sbarrier.arrive $0xFFFF  }
0x4e: {  	p0 =	sne.s32 s1, $0x0;
	_ =	strace $0x90000047  }
0x4f: {  	s0 =	sadd.s32 @!p0 $0x100000, s0;
	[bflag:$0x2] =	sbarrier.arrive $0xFFFF  }
0x50: {  	[sflag:s0] =	ssyncadd.tile.s32 @!p0 $0x1;
	_ =	shalt  }
.Lfunc_end2:
_tile_overlayer_lowered:
.L_overlay_start_2:
0x51: {  	(tag) =	ssettag $0x2  }
0x52: {  	s0 =	rddreg [dreg:$0x0];
	s2 =	stileid.u32  }
0x53: {  	s1 =	rddreg [dreg:$0x1];
	p0 =	sne.s32 s2, $0x0  }
0x54: {  	s3 =	rddreg [dreg:$0x2];
	[bflag:$0x3] =	sbarrier.arrive $0xFFFF;
	s2 =	simm.s32 @!p0 $0x1C03  }
0x55: {  	[timem:s3], [sflag:s2] =	dma.local @!p0 [hbm:s0], s1  }
0x56: {  	s0 =	simm.s32 @!p0 $0x3  }
0x57: {  	_ =	swait.ge @!p0 [sflag:s0], s1  }
0x58: {  	s1 =	ssub.s32 @!p0 $0x0, s1;
	[sflag:s0] =	ssyncset.done @!p0 $0x0  }
0x59: {  	[sflag:s0] =	ssyncadd.s32 @!p0 s1  }
0x5a: {  	[bflag:$0x3] =	sbarrier.arrive $0xFFFF  }
0x5b: {  	_ =	shalt  }

</sc_bundles>
